<compile_context>
chip_gen: v7x
topology: tpu7x:2x2x1
jax: 0.10.2.dev20260603
libtpu: 0.0.44.dev20260713+nightly
codegen_flags: <defaults>
</compile_context>

<pallas_src>
import numpy as np

import jax
import jax.numpy as jnp
from jax import lax
from jax.experimental import pallas as pl
from jax.experimental.pallas import tpu as pltpu
from jax.experimental.pallas import tpu_sc as plsc

N = 1024
IN_CH = 256
HID = 32
OUT = 64
E = 16384

NC, NS, L = 2, 16, 16
NW = NC * NS
EPW = E // NW
CHUNK = 128
NCHUNK = EPW // CHUNK
RPT = N // NS

_ROWBLK = 128
HIDW = 128
OUTW = 128



def _tf2x32(k1, k2, x0, x1):
    r0 = (13, 15, 26, 6)
    r1 = (17, 29, 16, 24)
    ks = (np.uint32(k1), np.uint32(k2),
          np.uint32(k1 ^ k2 ^ np.uint32(0x1BD11BDA)))
    x0 = (x0 + ks[0]).astype(np.uint32)
    x1 = (x1 + ks[1]).astype(np.uint32)
    for i, rots in enumerate((r0, r1, r0, r1, r0)):
        for r in rots:
            x0 = (x0 + x1).astype(np.uint32)
            x1 = ((x1 << np.uint32(r)) | (x1 >> np.uint32(32 - r))).astype(
                np.uint32)
            x1 = x0 ^ x1
        x0 = (x0 + ks[(i + 1) % 3]).astype(np.uint32)
        x1 = (x1 + ks[(i + 2) % 3] + np.uint32(i + 1)).astype(np.uint32)
    return x0, x1


def _np_fold_in(key, data):
    a, b = _tf2x32(key[0], key[1], np.uint32([0]), np.uint32([data]))
    return np.array([a[0], b[0]], dtype=np.uint32)


def _np_uniform(key, shape, minval, maxval):
    n = int(np.prod(shape))
    b1, b2 = _tf2x32(key[0], key[1], np.zeros(n, np.uint32),
                     np.arange(n, dtype=np.uint32))
    bits = b1 ^ b2
    fb = (bits >> np.uint32(9)) | np.uint32(0x3F800000)
    floats = fb.view(np.float32) - np.float32(1.0)
    lo, hi = np.float32(minval), np.float32(maxval)
    return np.maximum(lo, floats * (hi - lo) + lo).reshape(shape)


def _noise_consts():
    gkey = np.array([0, 42], dtype=np.uint32)
    dkey = np.array([0, 123], dtype=np.uint32)
    u0 = _np_uniform(_np_fold_in(gkey, 0), (N, N), 1e-9, 1.0)
    u1 = _np_uniform(_np_fold_in(gkey, 1), (N, N), 1e-9, 1.0)
    d0 = _np_uniform(_np_fold_in(dkey, 0), (N, HID), 0.0, 1.0)
    d1 = _np_uniform(_np_fold_in(dkey, 1), (N, OUT), 0.0, 1.0)
    drop0 = np.where(d0 < np.float32(0.5), np.float32(2.0), np.float32(0.0))
    drop1 = np.where(d1 < np.float32(0.5), np.float32(2.0), np.float32(0.0))
    return u0, u1, drop0, drop1


_U0, _U1, _DROP0, _DROP1 = _noise_consts()



def _tc1a_body(l0_ref, g0_ref, x_ref, wl_ref, p0_ref, xl_ref):
    iota = lax.broadcasted_iota(jnp.int32, (_ROWBLK, N), 1)
    v0 = l0_ref[...] + g0_ref[...]
    m0 = jnp.max(v0, axis=1, keepdims=True)
    p0_ref[...] = jnp.min(jnp.where(v0 >= m0, iota, N), axis=1)
    xl_ref[:, :HID] = jnp.dot(x_ref[...], wl_ref[...],
                              preferred_element_type=jnp.float32)
    xl_ref[:, HID:HID + L] = jnp.ones((_ROWBLK, L), jnp.float32)
    xl_ref[:, HID + L:] = jnp.zeros((_ROWBLK, HIDW - HID - L), jnp.float32)


_tc1a = pl.pallas_call(
    _tc1a_body,
    grid=(N // _ROWBLK,),
    in_specs=[
        pl.BlockSpec((_ROWBLK, N), lambda i: (i, 0)),
        pl.BlockSpec((_ROWBLK, N), lambda i: (i, 0)),
        pl.BlockSpec((_ROWBLK, IN_CH), lambda i: (i, 0)),
        pl.BlockSpec((IN_CH, HID), lambda i: (0, 0)),
    ],
    out_specs=[
        pl.BlockSpec((_ROWBLK,), lambda i: (i,)),
        pl.BlockSpec((_ROWBLK, HIDW), lambda i: (i, 0)),
    ],
    out_shape=[
        jax.ShapeDtypeStruct((N,), jnp.int32),
        jax.ShapeDtypeStruct((N, HIDW), jnp.float32),
    ],
    compiler_params=pltpu.CompilerParams(
        dimension_semantics=("parallel",)),
)


def _tc1b_body(l1_ref, g1_ref, x_ref, wr_ref, p1_ref, xr_ref):
    iota = lax.broadcasted_iota(jnp.int32, (_ROWBLK, N), 1)
    v1 = l1_ref[...] + g1_ref[...]
    m1 = jnp.max(v1, axis=1, keepdims=True)
    p1_ref[...] = jnp.min(jnp.where(v1 >= m1, iota, N), axis=1)
    xr_ref[...] = jnp.dot(x_ref[...], wr_ref[...],
                          preferred_element_type=jnp.float32)


_tc1b = pl.pallas_call(
    _tc1b_body,
    grid=(N // _ROWBLK,),
    in_specs=[
        pl.BlockSpec((_ROWBLK, N), lambda i: (i, 0)),
        pl.BlockSpec((_ROWBLK, N), lambda i: (i, 0)),
        pl.BlockSpec((_ROWBLK, IN_CH), lambda i: (i, 0)),
        pl.BlockSpec((IN_CH, HID), lambda i: (0, 0)),
    ],
    out_specs=[
        pl.BlockSpec((_ROWBLK,), lambda i: (i,)),
        pl.BlockSpec((_ROWBLK, HID), lambda i: (i, 0)),
    ],
    out_shape=[
        jax.ShapeDtypeStruct((N,), jnp.int32),
        jax.ShapeDtypeStruct((N, HID), jnp.float32),
    ],
    compiler_params=pltpu.CompilerParams(
        dimension_semantics=("parallel",)),
)



def _make_sc_segsum(D):
    mesh = plsc.VectorSubcoreMesh(core_axis_name="c", subcore_axis_name="s",
                                  num_cores=NC, num_subcores=NS)
    cpr = D // L

    def body(table_hbm, p_hbm, edge_hbm, agg_hbm,
             p_v, es_v, ed_v, sidx_v, didx_v, rows_a, rows_b,
             shared_agg, sem_a, sem_b):
        c = lax.axis_index("c")
        s = lax.axis_index("s")
        w = c * NS + s
        pltpu.sync_copy(p_hbm, p_v)
        pltpu.sync_copy(edge_hbm.at[0, pl.ds(w * EPW, EPW)], es_v)
        pltpu.sync_copy(edge_hbm.at[1, pl.ds(w * EPW, EPW)], ed_v)

        zero16 = jnp.zeros((L,), jnp.float32)

        def zrow(i, _):
            for j in range(cpr):
                rows_a[i, pl.ds(j * L, L)] = zero16
            return 0

        lax.fori_loop(0, RPT, zrow, 0)

        pltpu.sync_copy(rows_a.at[pl.ds(0, RPT)],
                        shared_agg.at[pl.ds(s * RPT, RPT)])
        plsc.subcore_barrier()

        def emap(i, _):
            ev = es_v[pl.ds(i * L, L)]
            dv = ed_v[pl.ds(i * L, L)]
            sv = plsc.load_gather(p_v, [ev])
            tv = plsc.load_gather(p_v, [dv])
            row = i // (CHUNK // L)
            col = (i % (CHUNK // L)) * L
            sidx_v[row, pl.ds(col, L)] = sv
            didx_v[row, pl.ds(col, L)] = tv
            return 0

        lax.fori_loop(0, EPW // L, emap, 0)

        bufs = (rows_a, rows_b)
        sems = (sem_a, sem_b)
        cp = pltpu.async_copy(table_hbm.at[sidx_v.at[0]], bufs[0], sems[0])
        for j in range(NCHUNK):
            cp.wait()
            if j + 1 < NCHUNK:
                cp = pltpu.async_copy(table_hbm.at[sidx_v.at[j + 1]],
                                      bufs[(j + 1) % 2], sems[(j + 1) % 2])
            pltpu.sync_copy(bufs[j % 2], shared_agg.at[didx_v.at[j]],
                            add=True)
        plsc.subcore_barrier()

        pltpu.sync_copy(shared_agg.at[pl.ds(s * RPT, RPT)],
                        agg_hbm.at[c, pl.ds(s * RPT, RPT)])

    return pl.kernel(
        body,
        out_type=jax.ShapeDtypeStruct((NC, N, D), jnp.float32),
        mesh=mesh,
        compiler_params=pltpu.CompilerParams(needs_layout_passes=False,
                                             use_tc_tiling_on_sc=False),
        scratch_types=[
            pltpu.VMEM((N,), jnp.int32),
            pltpu.VMEM((EPW,), jnp.int32),
            pltpu.VMEM((EPW,), jnp.int32),
            pltpu.VMEM((NCHUNK, CHUNK), jnp.int32),
            pltpu.VMEM((NCHUNK, CHUNK), jnp.int32),
            pltpu.VMEM((CHUNK, D), jnp.float32),
            pltpu.VMEM((CHUNK, D), jnp.float32),
            pltpu.VMEM_SHARED((N, D), jnp.float32),
            pltpu.SemaphoreType.DMA,
            pltpu.SemaphoreType.DMA,
        ],
    )


_sc_segsum0 = _make_sc_segsum(HIDW)
_sc_segsum1 = _sc_segsum0



def _tc2_body(agg_ref, xr_ref, b_ref, mask_ref, wl_ref, wr_ref,
              hl_ref, hr_ref):
    full = agg_ref[0] + agg_ref[1]
    agg = full[:, :HID]
    cnt = full[:, HID:HID + 1]
    mean = agg / jnp.maximum(cnt, 1.0)
    h = jnp.maximum(mean + xr_ref[...] + b_ref[...], 0.0) * mask_ref[...]
    hl_ref[:, :OUT] = jnp.dot(h, wl_ref[...],
                              preferred_element_type=jnp.float32)
    hl_ref[:, OUT:OUT + L] = jnp.ones((N, L), jnp.float32)
    hl_ref[:, OUT + L:] = jnp.zeros((N, OUTW - OUT - L), jnp.float32)
    hr_ref[...] = jnp.dot(h, wr_ref[...], preferred_element_type=jnp.float32)


_tc2 = pl.pallas_call(
    _tc2_body,
    out_shape=[
        jax.ShapeDtypeStruct((N, OUTW), jnp.float32),
        jax.ShapeDtypeStruct((N, OUT), jnp.float32),
    ],
)


def _tc3_body(agg_ref, hr_ref, b_ref, mask_ref, out_ref):
    full = agg_ref[0] + agg_ref[1]
    agg = full[:, :OUT]
    cnt = full[:, OUT:OUT + 1]
    o = jnp.maximum(agg / jnp.maximum(cnt, 1.0) + hr_ref[...] + b_ref[...],
                    0.0) * mask_ref[...]
    m = jnp.max(o, axis=1, keepdims=True)
    sh = o - m
    out_ref[...] = sh - jnp.log(jnp.sum(jnp.exp(sh), axis=1, keepdims=True))


_tc3 = pl.pallas_call(
    _tc3_body,
    out_shape=jax.ShapeDtypeStruct((N, OUT), jnp.float32),
)


def kernel(x, edge_index, logits0, Wl0, Wr0, b0, logits1, Wl1, Wr1, b1):
    g0 = -jnp.log(-jnp.log(jnp.asarray(_U0)))
    g1 = -jnp.log(-jnp.log(jnp.asarray(_U1)))
    p0, xl0 = _tc1a(logits0, g0, x, Wl0)
    agg0 = _sc_segsum0(xl0, p0, edge_index)
    p1, xr0 = _tc1b(logits1, g1, x, Wr0)
    hl1, hr1 = _tc2(agg0, xr0, b0.reshape(1, HID), _DROP0, Wl1, Wr1)
    agg1 = _sc_segsum1(hl1, p1, edge_index)
    return _tc3(agg1, hr1, b1.reshape(1, OUT), _DROP1)

# --- scband reference (transcript-rebuilt; emitter-appended) ---
"""Pipeline reference for scband-graph-sage-27350351741495 (READ-ONLY COPY).

The authoritative reference and input builder live on the scoring server;
editing this copy changes nothing except your own understanding.
"""

import jax, jax.numpy as jnp
import numpy as np

N_NODES = 1024
IN_CH = 256
HID_CH = 32
OUT_CH = 64
E = 16384
TEMP = 1.0


def _init_logits(key, n):
    return jnp.eye(n, dtype=jnp.float32) * 0.1 + jax.random.normal(key, (n, n), dtype=jnp.float32) * 0.01


def setup_inputs(seed: int = 0) -> dict:
    key = jax.random.key(seed)
    ks = jax.random.split(key, 10)
    x = jax.random.normal(ks[0], (N_NODES, IN_CH), dtype=jnp.float32)
    edge_index = jax.random.randint(ks[1], (2, E), 0, N_NODES, dtype=jnp.int32)
    logits0 = _init_logits(ks[2], N_NODES)
    logits1 = _init_logits(ks[3], N_NODES)
    s0 = 1.0 / np.sqrt(IN_CH)
    Wl0 = jax.random.uniform(ks[4], (IN_CH, HID_CH), minval=-s0, maxval=s0, dtype=jnp.float32)
    Wr0 = jax.random.uniform(ks[5], (IN_CH, HID_CH), minval=-s0, maxval=s0, dtype=jnp.float32)
    b0 = jnp.zeros((HID_CH,), dtype=jnp.float32)
    s1 = 1.0 / np.sqrt(HID_CH)
    Wl1 = jax.random.uniform(ks[6], (HID_CH, OUT_CH), minval=-s1, maxval=s1, dtype=jnp.float32)
    Wr1 = jax.random.uniform(ks[7], (HID_CH, OUT_CH), minval=-s1, maxval=s1, dtype=jnp.float32)
    b1 = jnp.zeros((OUT_CH,), dtype=jnp.float32)
    return {"x": x, "edge_index": edge_index, "logits0": logits0, "Wl0": Wl0, "Wr0": Wr0, "b0": b0, "logits1": logits1, "Wl1": Wl1, "Wr1": Wr1, "b1": b1}


def _layer(h, edge_index, logits, Wl, Wr, b, layer_idx):
    # LearnablePermutation.forward (training mode): gumbel-softmax soft permutation
    gkey = jax.random.fold_in(jax.random.key(42), layer_idx)
    u = jax.random.uniform(gkey, logits.shape, minval=1e-9, maxval=1.0, dtype=jnp.float32)
    gumbel = -jnp.log(-jnp.log(u))
    perm = jax.nn.softmax((logits + gumbel) / TEMP, axis=-1)
    # apply_permutation: one_hot(edge)[E,N] @ perm[N,N] == perm[edge]; then argmax over dim 1
    rows = jnp.take(perm, edge_index, axis=0)  # [2, E, N]
    edge_perm = jnp.argmax(rows, axis=-1)      # [2, E]
    src, dst = edge_perm[0], edge_perm[1]
    # SAGEConv (mean aggregation over incoming messages at dst) + root weight + bias
    msg = jnp.take(h, src, axis=0)
    agg = jax.ops.segment_sum(msg, dst, num_segments=N_NODES)
    cnt = jax.ops.segment_sum(jnp.ones((src.shape[0],), dtype=h.dtype), dst, num_segments=N_NODES)
    mean = agg / jnp.maximum(cnt, 1.0)[:, None]
    out = mean @ Wl + h @ Wr + b
    out = jax.nn.relu(out)
    # dropout p=0.5 (training=True), deterministic key
    dkey = jax.random.fold_in(jax.random.key(123), layer_idx)
    keep = jax.random.bernoulli(dkey, 0.5, out.shape)
    out = jnp.where(keep, out / 0.5, jnp.zeros_like(out))
    return out


def reference(x, edge_index, logits0, Wl0, Wr0, b0, logits1, Wl1, Wr1, b1):
    h = _layer(x, edge_index, logits0, Wl0, Wr0, b0, 0)
    h = _layer(h, edge_index, logits1, Wl1, Wr1, b1, 1)
    return jax.nn.log_softmax(h, axis=1)

if __name__ == "__main__":
    import jax
    _d = setup_inputs()
    print(jax.jit(kernel)(*tuple(_d.values())))

</pallas_src>

<mosaic_0001>
#map = affine_map<(d0, d1) -> (0, 0)>
#map1 = affine_map<(d0, d1) -> (0)>
#map2 = affine_map<(d0, d1) -> (0, 0, 0)>
module attributes {stable_mosaic.version = 14 : i64} {
  func.func @body(%arg0: i32, %arg1: i32, %arg2: memref<1024x128xf32, #tpu.memory_space<hbm>>, %arg3: memref<1024xi32, #tpu.memory_space<hbm>>, %arg4: memref<2x16384xi32, #tpu.memory_space<hbm>>, %arg5: memref<2x1024x128xf32, #tpu.memory_space<hbm>>, %arg6: memref<1024xi32, #tpu.memory_space<vmem>>, %arg7: memref<512xi32, #tpu.memory_space<vmem>>, %arg8: memref<512xi32, #tpu.memory_space<vmem>>, %arg9: memref<4x128xi32, #tpu.memory_space<vmem>>, %arg10: memref<4x128xi32, #tpu.memory_space<vmem>>, %arg11: memref<128x128xf32, #tpu.memory_space<vmem>>, %arg12: memref<128x128xf32, #tpu.memory_space<vmem>>, %arg13: memref<1024x128xf32, #tpu.memory_space<vmem_shared>>, %arg14: memref<!tpu.dma_semaphore, #tpu.memory_space<semaphore_mem>>, %arg15: memref<!tpu.dma_semaphore, #tpu.memory_space<semaphore_mem>>) attributes {dimension_semantics = [#tpu.dimension_semantics<core_parallel>, #tpu.dimension_semantics<subcore_parallel>], iteration_bounds = array<i64: 2, 16>, scalar_prefetch = 0 : i64, scratch_operands = 10 : i64, tpu.core_type = #tpu.core_type<sc_vector_subcore>, window_params = [{transform_indices = #map}, {transform_indices = #map1}, {transform_indices = #map}, {transform_indices = #map2}]} {
    %mul3A = arith.constant 16 : i32
    %mul3A_0 = arith.muli %arg0, %mul3A : i32
    %add3A = arith.addi %mul3A_0, %arg1 : i32
    "tpu.region"() ({
      %run_scoped3A_85 = tpu.sem_alloc : memref<!tpu.dma_semaphore, #tpu.memory_space<semaphore_mem>>
      tpu.enqueue_dma source(%arg3 : memref<1024xi32, #tpu.memory_space<hbm>>) target(%arg6 : memref<1024xi32, #tpu.memory_space<vmem>>) target_semaphore(%run_scoped3A_85 : memref<!tpu.dma_semaphore, #tpu.memory_space<semaphore_mem>>)
      tpu.wait_dma2 semaphore(%run_scoped3A_85 : memref<!tpu.dma_semaphore, #tpu.memory_space<semaphore_mem>>) src(%arg3 : memref<1024xi32, #tpu.memory_space<hbm>>) dst(%arg6 : memref<1024xi32, #tpu.memory_space<vmem>>)
      tpu.yield
    }) : () -> ()
    %mul3A_1 = arith.constant 512 : i32
    %mul3A_2 = arith.muli %add3A, %mul3A_1 : i32
    %run_scoped3A = arith.constant 0 : i32
    "tpu.region"() ({
      %run_scoped3A_85 = tpu.sem_alloc : memref<!tpu.dma_semaphore, #tpu.memory_space<semaphore_mem>>
      %dma_start3A_86 = tpu.memref_slice %arg4[%run_scoped3A, %mul3A_2] : memref<2x16384xi32, #tpu.memory_space<hbm>> -> memref<1x512xi32, #tpu.memory_space<hbm>>
      %dma_start3A_87 = tpu.memref_squeeze %dma_start3A_86 : memref<1x512xi32, #tpu.memory_space<hbm>> -> memref<512xi32, #tpu.memory_space<hbm>>
      %dma_start3A_88 = tpu.memref_slice %arg4[%run_scoped3A, %mul3A_2] : memref<2x16384xi32, #tpu.memory_space<hbm>> -> memref<1x512xi32, #tpu.memory_space<hbm>>
      %dma_start3A_89 = tpu.memref_squeeze %dma_start3A_88 : memref<1x512xi32, #tpu.memory_space<hbm>> -> memref<512xi32, #tpu.memory_space<hbm>>
      tpu.enqueue_dma source(%dma_start3A_89 : memref<512xi32, #tpu.memory_space<hbm>>) target(%arg7 : memref<512xi32, #tpu.memory_space<vmem>>) target_semaphore(%run_scoped3A_85 : memref<!tpu.dma_semaphore, #tpu.memory_space<semaphore_mem>>)
      %dma_wait3A_90 = tpu.memref_slice %arg4[%run_scoped3A, %mul3A_2] : memref<2x16384xi32, #tpu.memory_space<hbm>> -> memref<1x512xi32, #tpu.memory_space<hbm>>
      %dma_wait3A_91 = tpu.memref_squeeze %dma_wait3A_90 : memref<1x512xi32, #tpu.memory_space<hbm>> -> memref<512xi32, #tpu.memory_space<hbm>>
      %dma_wait3A_92 = tpu.memref_slice %arg4[%run_scoped3A, %mul3A_2] : memref<2x16384xi32, #tpu.memory_space<hbm>> -> memref<1x512xi32, #tpu.memory_space<hbm>>
      %dma_wait3A_93 = tpu.memref_squeeze %dma_wait3A_92 : memref<1x512xi32, #tpu.memory_space<hbm>> -> memref<512xi32, #tpu.memory_space<hbm>>
      tpu.wait_dma2 semaphore(%run_scoped3A_85 : memref<!tpu.dma_semaphore, #tpu.memory_space<semaphore_mem>>) src(%dma_wait3A_93 : memref<512xi32, #tpu.memory_space<hbm>>) dst(%arg7 : memref<512xi32, #tpu.memory_space<vmem>>)
      tpu.yield
    }) : () -> ()
    %mul3A_3 = arith.constant 512 : i32
    %mul3A_4 = arith.muli %add3A, %mul3A_3 : i32
    %run_scoped3A_5 = arith.constant 1 : i32
    "tpu.region"() ({
      %run_scoped3A_85 = tpu.sem_alloc : memref<!tpu.dma_semaphore, #tpu.memory_space<semaphore_mem>>
      %dma_start3A_86 = tpu.memref_slice %arg4[%run_scoped3A_5, %mul3A_4] : memref<2x16384xi32, #tpu.memory_space<hbm>> -> memref<1x512xi32, #tpu.memory_space<hbm>>
      %dma_start3A_87 = tpu.memref_squeeze %dma_start3A_86 : memref<1x512xi32, #tpu.memory_space<hbm>> -> memref<512xi32, #tpu.memory_space<hbm>>
      %dma_start3A_88 = tpu.memref_slice %arg4[%run_scoped3A_5, %mul3A_4] : memref<2x16384xi32, #tpu.memory_space<hbm>> -> memref<1x512xi32, #tpu.memory_space<hbm>>
      %dma_start3A_89 = tpu.memref_squeeze %dma_start3A_88 : memref<1x512xi32, #tpu.memory_space<hbm>> -> memref<512xi32, #tpu.memory_space<hbm>>
      tpu.enqueue_dma source(%dma_start3A_89 : memref<512xi32, #tpu.memory_space<hbm>>) target(%arg8 : memref<512xi32, #tpu.memory_space<vmem>>) target_semaphore(%run_scoped3A_85 : memref<!tpu.dma_semaphore, #tpu.memory_space<semaphore_mem>>)
      %dma_wait3A_90 = tpu.memref_slice %arg4[%run_scoped3A_5, %mul3A_4] : memref<2x16384xi32, #tpu.memory_space<hbm>> -> memref<1x512xi32, #tpu.memory_space<hbm>>
      %dma_wait3A_91 = tpu.memref_squeeze %dma_wait3A_90 : memref<1x512xi32, #tpu.memory_space<hbm>> -> memref<512xi32, #tpu.memory_space<hbm>>
      %dma_wait3A_92 = tpu.memref_slice %arg4[%run_scoped3A_5, %mul3A_4] : memref<2x16384xi32, #tpu.memory_space<hbm>> -> memref<1x512xi32, #tpu.memory_space<hbm>>
      %dma_wait3A_93 = tpu.memref_squeeze %dma_wait3A_92 : memref<1x512xi32, #tpu.memory_space<hbm>> -> memref<512xi32, #tpu.memory_space<hbm>>
      tpu.wait_dma2 semaphore(%run_scoped3A_85 : memref<!tpu.dma_semaphore, #tpu.memory_space<semaphore_mem>>) src(%dma_wait3A_93 : memref<512xi32, #tpu.memory_space<hbm>>) dst(%arg8 : memref<512xi32, #tpu.memory_space<vmem>>)
      tpu.yield
    }) : () -> ()
    %broadcast_in_dim3A = arith.constant 0.000000e+00 : f32
    %broadcast_in_dim3A_6 = vector.broadcast %broadcast_in_dim3A : f32 to vector<16xf32>
    %scan3A = arith.constant 0 : i32
    %scan3A_7 = arith.constant 0 : i32
    %scan3A_8 = arith.constant 64 : i32
    %scan3A_9 = arith.addi %scan3A_7, %scan3A_8 : i32
    %scan3A_10 = arith.constant 1 : i32
    %scan3A_11 = scf.for %scan3A_85 = %scan3A_7 to %scan3A_9 step %scan3A_10 iter_args(%scan3A_86 = %scan3A) -> (i32)  : i32 {
      %swap3A = arith.index_cast %scan3A_85 : i32 to index
      %swap3A_87 = arith.constant 0 : index
      %swap3A_88 = tpu.vector_load %arg11[%swap3A, %swap3A_87] {strides = array<i32>} : memref<128x128xf32, #tpu.memory_space<vmem>>, vector<16xf32>,
      tpu.vector_store %arg11[%swap3A, %swap3A_87], %broadcast_in_dim3A_6 {strides = array<i32>} : memref<128x128xf32, #tpu.memory_space<vmem>>, vector<16xf32>,
      %swap3A_89 = arith.index_cast %scan3A_85 : i32 to index
      %swap3A_90 = arith.constant 16 : index
      %swap3A_91 = tpu.vector_load %arg11[%swap3A_89, %swap3A_90] {strides = array<i32>} : memref<128x128xf32, #tpu.memory_space<vmem>>, vector<16xf32>,
      tpu.vector_store %arg11[%swap3A_89, %swap3A_90], %broadcast_in_dim3A_6 {strides = array<i32>} : memref<128x128xf32, #tpu.memory_space<vmem>>, vector<16xf32>,
      %swap3A_92 = arith.index_cast %scan3A_85 : i32 to index
      %swap3A_93 = arith.constant 32 : index
      %swap3A_94 = tpu.vector_load %arg11[%swap3A_92, %swap3A_93] {strides = array<i32>} : memref<128x128xf32, #tpu.memory_space<vmem>>, vector<16xf32>,
      tpu.vector_store %arg11[%swap3A_92, %swap3A_93], %broadcast_in_dim3A_6 {strides = array<i32>} : memref<128x128xf32, #tpu.memory_space<vmem>>, vector<16xf32>,
      %swap3A_95 = arith.index_cast %scan3A_85 : i32 to index
      %swap3A_96 = arith.constant 48 : index
      %swap3A_97 = tpu.vector_load %arg11[%swap3A_95, %swap3A_96] {strides = array<i32>} : memref<128x128xf32, #tpu.memory_space<vmem>>, vector<16xf32>,
      tpu.vector_store %arg11[%swap3A_95, %swap3A_96], %broadcast_in_dim3A_6 {strides = array<i32>} : memref<128x128xf32, #tpu.memory_space<vmem>>, vector<16xf32>,
      %swap3A_98 = arith.index_cast %scan3A_85 : i32 to index
      %swap3A_99 = arith.constant 64 : index
      %swap3A_100 = tpu.vector_load %arg11[%swap3A_98, %swap3A_99] {strides = array<i32>} : memref<128x128xf32, #tpu.memory_space<vmem>>, vector<16xf32>,
      tpu.vector_store %arg11[%swap3A_98, %swap3A_99], %broadcast_in_dim3A_6 {strides = array<i32>} : memref<128x128xf32, #tpu.memory_space<vmem>>, vector<16xf32>,
      %swap3A_101 = arith.index_cast %scan3A_85 : i32 to index
      %swap3A_102 = arith.constant 80 : index
      %swap3A_103 = tpu.vector_load %arg11[%swap3A_101, %swap3A_102] {strides = array<i32>} : memref<128x128xf32, #tpu.memory_space<vmem>>, vector<16xf32>,
      tpu.vector_store %arg11[%swap3A_101, %swap3A_102], %broadcast_in_dim3A_6 {strides = array<i32>} : memref<128x128xf32, #tpu.memory_space<vmem>>, vector<16xf32>,
      %swap3A_104 = arith.index_cast %scan3A_85 : i32 to index
      %swap3A_105 = arith.constant 96 : index
      %swap3A_106 = tpu.vector_load %arg11[%swap3A_104, %swap3A_105] {strides = array<i32>} : memref<128x128xf32, #tpu.memory_space<vmem>>, vector<16xf32>,
      tpu.vector_store %arg11[%swap3A_104, %swap3A_105], %broadcast_in_dim3A_6 {strides = array<i32>} : memref<128x128xf32, #tpu.memory_space<vmem>>, vector<16xf32>,
      %swap3A_107 = arith.index_cast %scan3A_85 : i32 to index
      %swap3A_108 = arith.constant 112 : index
      %swap3A_109 = tpu.vector_load %arg11[%swap3A_107, %swap3A_108] {strides = array<i32>} : memref<128x128xf32, #tpu.memory_space<vmem>>, vector<16xf32>,
      tpu.vector_store %arg11[%swap3A_107, %swap3A_108], %broadcast_in_dim3A_6 {strides = array<i32>} : memref<128x128xf32, #tpu.memory_space<vmem>>, vector<16xf32>,
      %scan3A_110 = arith.constant 0 : i32
      scf.yield %scan3A_110 : i32
    }
    %scan3A_12 = arith.constant 64 : i32
    %mul3A_13 = arith.constant 64 : i32
    %mul3A_14 = arith.muli %arg1, %mul3A_13 : i32
    "tpu.region"() ({
      %run_scoped3A_85 = tpu.sem_alloc : memref<!tpu.dma_semaphore, #tpu.memory_space<semaphore_mem>>
      %dma_start3A_86 = arith.constant 0 : i32
      %dma_start3A_87 = arith.constant 0 : i32
      %dma_start3A_88 = tpu.memref_slice %arg11[%dma_start3A_86, %dma_start3A_87] : memref<128x128xf32, #tpu.memory_space<vmem>> -> memref<64x128xf32, #tpu.memory_space<vmem>>
      %dma_start3A_89 = arith.constant 0 : i32
      %dma_start3A_90 = tpu.memref_slice %arg13[%mul3A_14, %dma_start3A_89] : memref<1024x128xf32, #tpu.memory_space<vmem_shared>> -> memref<64x128xf32, #tpu.memory_space<vmem_shared>>
      %dma_start3A_91 = arith.constant 0 : i32
      %dma_start3A_92 = tpu.memref_slice %arg13[%mul3A_14, %dma_start3A_91] : memref<1024x128xf32, #tpu.memory_space<vmem_shared>> -> memref<64x128xf32, #tpu.memory_space<vmem_shared>>
      %dma_start3A_93 = arith.constant 0 : i32
      %dma_start3A_94 = arith.constant 0 : i32
      %dma_start3A_95 = tpu.memref_slice %arg11[%dma_start3A_93, %dma_start3A_94] : memref<128x128xf32, #tpu.memory_space<vmem>> -> memref<64x128xf32, #tpu.memory_space<vmem>>
      tpu.enqueue_dma source(%dma_start3A_95 : memref<64x128xf32, #tpu.memory_space<vmem>>) target(%dma_start3A_92 : memref<64x128xf32, #tpu.memory_space<vmem_shared>>) target_semaphore(%run_scoped3A_85 : memref<!tpu.dma_semaphore, #tpu.memory_space<semaphore_mem>>)
      %dma_wait3A_96 = arith.constant 0 : i32
      %dma_wait3A_97 = arith.constant 0 : i32
      %dma_wait3A_98 = tpu.memref_slice %arg11[%dma_wait3A_96, %dma_wait3A_97] : memref<128x128xf32, #tpu.memory_space<vmem>> -> memref<64x128xf32, #tpu.memory_space<vmem>>
      %dma_wait3A_99 = arith.constant 0 : i32
      %dma_wait3A_100 = tpu.memref_slice %arg13[%mul3A_14, %dma_wait3A_99] : memref<1024x128xf32, #tpu.memory_space<vmem_shared>> -> memref<64x128xf32, #tpu.memory_space<vmem_shared>>
      %dma_wait3A_101 = arith.constant 0 : i32
      %dma_wait3A_102 = tpu.memref_slice %arg13[%mul3A_14, %dma_wait3A_101] : memref<1024x128xf32, #tpu.memory_space<vmem_shared>> -> memref<64x128xf32, #tpu.memory_space<vmem_shared>>
      %dma_wait3A_103 = arith.constant 0 : i32
      %dma_wait3A_104 = arith.constant 0 : i32
      %dma_wait3A_105 = tpu.memref_slice %arg11[%dma_wait3A_103, %dma_wait3A_104] : memref<128x128xf32, #tpu.memory_space<vmem>> -> memref<64x128xf32, #tpu.memory_space<vmem>>
      tpu.wait_dma2 semaphore(%run_scoped3A_85 : memref<!tpu.dma_semaphore, #tpu.memory_space<semaphore_mem>>) src(%dma_wait3A_105 : memref<64x128xf32, #tpu.memory_space<vmem>>) dst(%dma_wait3A_102 : memref<64x128xf32, #tpu.memory_space<vmem_shared>>)
      tpu.yield
    }) : () -> ()
    %barrier3A = arith.constant 0 : index
    tpu.barrier barrier_id(%barrier3A)
    %scan3A_15 = arith.constant 0 : i32
    %scan3A_16 = arith.constant 0 : i32
    %scan3A_17 = arith.constant 32 : i32
    %scan3A_18 = arith.addi %scan3A_16, %scan3A_17 : i32
    %scan3A_19 = arith.constant 1 : i32
    %scan3A_20 = scf.for %scan3A_85 = %scan3A_16 to %scan3A_18 step %scan3A_19 iter_args(%scan3A_86 = %scan3A_15) -> (i32)  : i32 {
      %mul3A_87 = arith.constant 16 : i32
      %mul3A_88 = arith.muli %scan3A_85, %mul3A_87 : i32
      %get3A = arith.index_cast %mul3A_88 : i32 to index
      %get3A_89 = tpu.vector_load %arg7[%get3A] {strides = array<i32>} : memref<512xi32, #tpu.memory_space<vmem>>, vector<16xi32>,
      %mul3A_90 = arith.constant 16 : i32
      %mul3A_91 = arith.muli %scan3A_85, %mul3A_90 : i32
      %get3A_92 = arith.index_cast %mul3A_91 : i32 to index
      %get3A_93 = tpu.vector_load %arg8[%get3A_92] {strides = array<i32>} : memref<512xi32, #tpu.memory_space<vmem>>, vector<16xi32>,
      %gather3A = tpu.vector_load_idx %arg6[%get3A_89] : memref<1024xi32, #tpu.memory_space<vmem>>[vector<16xi32>], vector<16xi32>,
      %gather3A_94 = tpu.vector_load_idx %arg6[%get3A_93] : memref<1024xi32, #tpu.memory_space<vmem>>[vector<16xi32>], vector<16xi32>,
      %jit3A = arith.constant 8 : i32
      %div3A = arith.divsi %scan3A_85, %jit3A : i32
      %sign3A = arith.constant 0 : i32
      %sign3A_95 = arith.cmpi sgt, %scan3A_85, %sign3A : i32
      %sign3A_96 = arith.extui %sign3A_95 : i1 to i32
      %sign3A_97 = arith.constant 0 : i32
      %sign3A_98 = arith.cmpi slt, %scan3A_85, %sign3A_97 : i32
      %sign3A_99 = arith.extui %sign3A_98 : i1 to i32
      %sign3A_100 = arith.subi %sign3A_96, %sign3A_99 : i32
      %sign3A_101 = arith.constant 0 : i32
      %sign3A_102 = arith.cmpi sgt, %jit3A, %sign3A_101 : i32
      %sign3A_103 = arith.extui %sign3A_102 : i1 to i32
      %sign3A_104 = arith.constant 0 : i32
      %sign3A_105 = arith.cmpi slt, %jit3A, %sign3A_104 : i32
      %sign3A_106 = arith.extui %sign3A_105 : i1 to i32
      %sign3A_107 = arith.subi %sign3A_103, %sign3A_106 : i32
      %ne3A = arith.cmpi ne, %sign3A_100, %sign3A_107 : i32
      %rem3A = arith.remsi %scan3A_85, %jit3A : i32
      %ne3A_108 = arith.constant 0 : i32
      %ne3A_109 = arith.cmpi ne, %rem3A, %ne3A_108 : i32
      %and3A = arith.andi %ne3A, %ne3A_109 : i1
      %sub3A = arith.constant 1 : i32
      %sub3A_110 = arith.subi %div3A, %sub3A : i32
      %select_n3A = arith.select %and3A, %sub3A_110, %div3A : i32
      %jit3A_111 = arith.constant 8 : i32
      %eq3A = arith.constant 0 : i32
      %eq3A_112 = arith.cmpi eq, %jit3A_111, %eq3A : i32
      %jit3A_113 = arith.constant 1 : i32
      %select_n3A_114 = arith.select %eq3A_112, %jit3A_113, %jit3A_111 : i32
      %rem3A_115 = arith.remsi %scan3A_85, %select_n3A_114 : i32
      %ne3A_116 = arith.constant 0 : i32
      %ne3A_117 = arith.cmpi ne, %rem3A_115, %ne3A_116 : i32
      %lt3A = arith.constant 0 : i32
      %lt3A_118 = arith.cmpi slt, %rem3A_115, %lt3A : i32
      %lt3A_119 = arith.constant 0 : i32
      %lt3A_120 = arith.cmpi slt, %select_n3A_114, %lt3A_119 : i32
      %ne3A_121 = arith.xori %lt3A_118, %lt3A_120 : i1
      %and3A_122 = arith.andi %ne3A_121, %ne3A_117 : i1
      %add3A_123 = arith.addi %rem3A_115, %select_n3A_114 : i32
      %select_n3A_124 = arith.select %and3A_122, %add3A_123, %rem3A_115 : i32
      %mul3A_125 = arith.constant 16 : i32
      %mul3A_126 = arith.muli %select_n3A_124, %mul3A_125 : i32
      %swap3A = arith.index_cast %select_n3A : i32 to index
      %swap3A_127 = arith.index_cast %mul3A_126 : i32 to index
      %swap3A_128 = tpu.vector_load %arg9[%swap3A, %swap3A_127] {strides = array<i32>} : memref<4x128xi32, #tpu.memory_space<vmem>>, vector<16xi32>,
      tpu.vector_store %arg9[%swap3A, %swap3A_127], %gather3A {strides = array<i32>} : memref<4x128xi32, #tpu.memory_space<vmem>>, vector<16xi32>,
      %swap3A_129 = arith.index_cast %select_n3A : i32 to index
      %swap3A_130 = arith.index_cast %mul3A_126 : i32 to index
      %swap3A_131 = tpu.vector_load %arg10[%swap3A_129, %swap3A_130] {strides = array<i32>} : memref<4x128xi32, #tpu.memory_space<vmem>>, vector<16xi32>,
      tpu.vector_store %arg10[%swap3A_129, %swap3A_130], %gather3A_94 {strides = array<i32>} : memref<4x128xi32, #tpu.memory_space<vmem>>, vector<16xi32>,
      %scan3A_132 = arith.constant 0 : i32
      scf.yield %scan3A_132 : i32
    }
    %scan3A_21 = arith.constant 32 : i32
    %dma_start3A = arith.constant 0 : i32
    %dma_start3A_22 = arith.constant 0 : i32
    %dma_start3A_23 = tpu.memref_slice %arg9[%dma_start3A, %dma_start3A_22] : memref<4x128xi32, #tpu.memory_space<vmem>> -> memref<1x128xi32, #tpu.memory_space<vmem>>
    %dma_start3A_24 = tpu.memref_squeeze %dma_start3A_23 : memref<1x128xi32, #tpu.memory_space<vmem>> -> memref<128xi32, #tpu.memory_space<vmem>>
    %dma_start3A_25 = arith.constant 0 : i32
    %dma_start3A_26 = arith.constant 0 : i32
    %dma_start3A_27 = tpu.memref_slice %arg2[%dma_start3A_25, %dma_start3A_26] : memref<1024x128xf32, #tpu.memory_space<hbm>> -> memref<1024x128xf32, #tpu.memory_space<hbm>>
    tpu.enqueue_indirect_dma source(%dma_start3A_27 : memref<1024x128xf32, #tpu.memory_space<hbm>>) target(%arg11 : memref<128x128xf32, #tpu.memory_space<vmem>>) offsets(%dma_start3A_24 : memref<128xi32, #tpu.memory_space<vmem>>) semaphore(%arg14 : memref<!tpu.dma_semaphore, #tpu.memory_space<semaphore_mem>>)
    %dma_wait3A = arith.constant 0 : i32
    %dma_wait3A_28 = arith.constant 0 : i32
    %dma_wait3A_29 = tpu.memref_slice %arg9[%dma_wait3A, %dma_wait3A_28] : memref<4x128xi32, #tpu.memory_space<vmem>> -> memref<1x128xi32, #tpu.memory_space<vmem>>
    %dma_wait3A_30 = tpu.memref_squeeze %dma_wait3A_29 : memref<1x128xi32, #tpu.memory_space<vmem>> -> memref<128xi32, #tpu.memory_space<vmem>>
    %dma_wait3A_31 = arith.constant 0 : i32
    %dma_wait3A_32 = arith.constant 0 : i32
    %dma_wait3A_33 = tpu.memref_slice %arg2[%dma_wait3A_31, %dma_wait3A_32] : memref<1024x128xf32, #tpu.memory_space<hbm>> -> memref<1024x128xf32, #tpu.memory_space<hbm>>
    tpu.wait_indirect_dma semaphore(%arg14 : memref<!tpu.dma_semaphore, #tpu.memory_space<semaphore_mem>>) src(%dma_wait3A_33 : memref<1024x128xf32, #tpu.memory_space<hbm>>) dst(%arg11 : memref<128x128xf32, #tpu.memory_space<vmem>>)
    %dma_start3A_34 = arith.constant 1 : i32
    %dma_start3A_35 = arith.constant 0 : i32
    %dma_start3A_36 = tpu.memref_slice %arg9[%dma_start3A_34, %dma_start3A_35] : memref<4x128xi32, #tpu.memory_space<vmem>> -> memref<1x128xi32, #tpu.memory_space<vmem>>
    %dma_start3A_37 = tpu.memref_squeeze %dma_start3A_36 : memref<1x128xi32, #tpu.memory_space<vmem>> -> memref<128xi32, #tpu.memory_space<vmem>>
    %dma_start3A_38 = arith.constant 0 : i32
    %dma_start3A_39 = arith.constant 0 : i32
    %dma_start3A_40 = tpu.memref_slice %arg2[%dma_start3A_38, %dma_start3A_39] : memref<1024x128xf32, #tpu.memory_space<hbm>> -> memref<1024x128xf32, #tpu.memory_space<hbm>>
    tpu.enqueue_indirect_dma source(%dma_start3A_40 : memref<1024x128xf32, #tpu.memory_space<hbm>>) target(%arg12 : memref<128x128xf32, #tpu.memory_space<vmem>>) offsets(%dma_start3A_37 : memref<128xi32, #tpu.memory_space<vmem>>) semaphore(%arg15 : memref<!tpu.dma_semaphore, #tpu.memory_space<semaphore_mem>>)
    %run_scoped3A_41 = arith.constant 0 : i32
    "tpu.region"() ({
      %run_scoped3A_85 = tpu.sem_alloc : memref<!tpu.dma_semaphore, #tpu.memory_space<semaphore_mem>>
      %dma_start3A_86 = arith.constant 0 : i32
      %dma_start3A_87 = tpu.memref_slice %arg10[%run_scoped3A_41, %dma_start3A_86] : memref<4x128xi32, #tpu.memory_space<vmem>> -> memref<1x128xi32, #tpu.memory_space<vmem>>
      %dma_start3A_88 = tpu.memref_squeeze %dma_start3A_87 : memref<1x128xi32, #tpu.memory_space<vmem>> -> memref<128xi32, #tpu.memory_space<vmem>>
      %dma_start3A_89 = arith.constant 0 : i32
      %dma_start3A_90 = arith.constant 0 : i32
      %dma_start3A_91 = tpu.memref_slice %arg13[%dma_start3A_89, %dma_start3A_90] : memref<1024x128xf32, #tpu.memory_space<vmem_shared>> -> memref<1024x128xf32, #tpu.memory_space<vmem_shared>>
      tpu.enqueue_indirect_dma source(%arg11 : memref<128x128xf32, #tpu.memory_space<vmem>>) target(%dma_start3A_91 : memref<1024x128xf32, #tpu.memory_space<vmem_shared>>) offsets(%dma_start3A_88 : memref<128xi32, #tpu.memory_space<vmem>>) semaphore(%run_scoped3A_85 : memref<!tpu.dma_semaphore, #tpu.memory_space<semaphore_mem>>) {add = true}
      %dma_wait3A_92 = arith.constant 0 : i32
      %dma_wait3A_93 = tpu.memref_slice %arg10[%run_scoped3A_41, %dma_wait3A_92] : memref<4x128xi32, #tpu.memory_space<vmem>> -> memref<1x128xi32, #tpu.memory_space<vmem>>
      %dma_wait3A_94 = tpu.memref_squeeze %dma_wait3A_93 : memref<1x128xi32, #tpu.memory_space<vmem>> -> memref<128xi32, #tpu.memory_space<vmem>>
      %dma_wait3A_95 = arith.constant 0 : i32
      %dma_wait3A_96 = arith.constant 0 : i32
      %dma_wait3A_97 = tpu.memref_slice %arg13[%dma_wait3A_95, %dma_wait3A_96] : memref<1024x128xf32, #tpu.memory_space<vmem_shared>> -> memref<1024x128xf32, #tpu.memory_space<vmem_shared>>
      tpu.wait_indirect_dma semaphore(%run_scoped3A_85 : memref<!tpu.dma_semaphore, #tpu.memory_space<semaphore_mem>>) src(%arg11 : memref<128x128xf32, #tpu.memory_space<vmem>>) dst(%dma_wait3A_97 : memref<1024x128xf32, #tpu.memory_space<vmem_shared>>)
      tpu.yield
    }) : () -> ()
    %dma_wait3A_42 = arith.constant 1 : i32
    %dma_wait3A_43 = arith.constant 0 : i32
    %dma_wait3A_44 = tpu.memref_slice %arg9[%dma_wait3A_42, %dma_wait3A_43] : memref<4x128xi32, #tpu.memory_space<vmem>> -> memref<1x128xi32, #tpu.memory_space<vmem>>
    %dma_wait3A_45 = tpu.memref_squeeze %dma_wait3A_44 : memref<1x128xi32, #tpu.memory_space<vmem>> -> memref<128xi32, #tpu.memory_space<vmem>>
    %dma_wait3A_46 = arith.constant 0 : i32
    %dma_wait3A_47 = arith.constant 0 : i32
    %dma_wait3A_48 = tpu.memref_slice %arg2[%dma_wait3A_46, %dma_wait3A_47] : memref<1024x128xf32, #tpu.memory_space<hbm>> -> memref<1024x128xf32, #tpu.memory_space<hbm>>
    tpu.wait_indirect_dma semaphore(%arg15 : memref<!tpu.dma_semaphore, #tpu.memory_space<semaphore_mem>>) src(%dma_wait3A_48 : memref<1024x128xf32, #tpu.memory_space<hbm>>) dst(%arg12 : memref<128x128xf32, #tpu.memory_space<vmem>>)
    %dma_start3A_49 = arith.constant 2 : i32
    %dma_start3A_50 = arith.constant 0 : i32
    %dma_start3A_51 = tpu.memref_slice %arg9[%dma_start3A_49, %dma_start3A_50] : memref<4x128xi32, #tpu.memory_space<vmem>> -> memref<1x128xi32, #tpu.memory_space<vmem>>
    %dma_start3A_52 = tpu.memref_squeeze %dma_start3A_51 : memref<1x128xi32, #tpu.memory_space<vmem>> -> memref<128xi32, #tpu.memory_space<vmem>>
    %dma_start3A_53 = arith.constant 0 : i32
    %dma_start3A_54 = arith.constant 0 : i32
    %dma_start3A_55 = tpu.memref_slice %arg2[%dma_start3A_53, %dma_start3A_54] : memref<1024x128xf32, #tpu.memory_space<hbm>> -> memref<1024x128xf32, #tpu.memory_space<hbm>>
    tpu.enqueue_indirect_dma source(%dma_start3A_55 : memref<1024x128xf32, #tpu.memory_space<hbm>>) target(%arg11 : memref<128x128xf32, #tpu.memory_space<vmem>>) offsets(%dma_start3A_52 : memref<128xi32, #tpu.memory_space<vmem>>) semaphore(%arg14 : memref<!tpu.dma_semaphore, #tpu.memory_space<semaphore_mem>>)
    %run_scoped3A_56 = arith.constant 1 : i32
    "tpu.region"() ({
      %run_scoped3A_85 = tpu.sem_alloc : memref<!tpu.dma_semaphore, #tpu.memory_space<semaphore_mem>>
      %dma_start3A_86 = arith.constant 0 : i32
      %dma_start3A_87 = tpu.memref_slice %arg10[%run_scoped3A_56, %dma_start3A_86] : memref<4x128xi32, #tpu.memory_space<vmem>> -> memref<1x128xi32, #tpu.memory_space<vmem>>
      %dma_start3A_88 = tpu.memref_squeeze %dma_start3A_87 : memref<1x128xi32, #tpu.memory_space<vmem>> -> memref<128xi32, #tpu.memory_space<vmem>>
      %dma_start3A_89 = arith.constant 0 : i32
      %dma_start3A_90 = arith.constant 0 : i32
      %dma_start3A_91 = tpu.memref_slice %arg13[%dma_start3A_89, %dma_start3A_90] : memref<1024x128xf32, #tpu.memory_space<vmem_shared>> -> memref<1024x128xf32, #tpu.memory_space<vmem_shared>>
      tpu.enqueue_indirect_dma source(%arg12 : memref<128x128xf32, #tpu.memory_space<vmem>>) target(%dma_start3A_91 : memref<1024x128xf32, #tpu.memory_space<vmem_shared>>) offsets(%dma_start3A_88 : memref<128xi32, #tpu.memory_space<vmem>>) semaphore(%run_scoped3A_85 : memref<!tpu.dma_semaphore, #tpu.memory_space<semaphore_mem>>) {add = true}
      %dma_wait3A_92 = arith.constant 0 : i32
      %dma_wait3A_93 = tpu.memref_slice %arg10[%run_scoped3A_56, %dma_wait3A_92] : memref<4x128xi32, #tpu.memory_space<vmem>> -> memref<1x128xi32, #tpu.memory_space<vmem>>
      %dma_wait3A_94 = tpu.memref_squeeze %dma_wait3A_93 : memref<1x128xi32, #tpu.memory_space<vmem>> -> memref<128xi32, #tpu.memory_space<vmem>>
      %dma_wait3A_95 = arith.constant 0 : i32
      %dma_wait3A_96 = arith.constant 0 : i32
      %dma_wait3A_97 = tpu.memref_slice %arg13[%dma_wait3A_95, %dma_wait3A_96] : memref<1024x128xf32, #tpu.memory_space<vmem_shared>> -> memref<1024x128xf32, #tpu.memory_space<vmem_shared>>
      tpu.wait_indirect_dma semaphore(%run_scoped3A_85 : memref<!tpu.dma_semaphore, #tpu.memory_space<semaphore_mem>>) src(%arg12 : memref<128x128xf32, #tpu.memory_space<vmem>>) dst(%dma_wait3A_97 : memref<1024x128xf32, #tpu.memory_space<vmem_shared>>)
      tpu.yield
    }) : () -> ()
    %dma_wait3A_57 = arith.constant 2 : i32
    %dma_wait3A_58 = arith.constant 0 : i32
    %dma_wait3A_59 = tpu.memref_slice %arg9[%dma_wait3A_57, %dma_wait3A_58] : memref<4x128xi32, #tpu.memory_space<vmem>> -> memref<1x128xi32, #tpu.memory_space<vmem>>
    %dma_wait3A_60 = tpu.memref_squeeze %dma_wait3A_59 : memref<1x128xi32, #tpu.memory_space<vmem>> -> memref<128xi32, #tpu.memory_space<vmem>>
    %dma_wait3A_61 = arith.constant 0 : i32
    %dma_wait3A_62 = arith.constant 0 : i32
    %dma_wait3A_63 = tpu.memref_slice %arg2[%dma_wait3A_61, %dma_wait3A_62] : memref<1024x128xf32, #tpu.memory_space<hbm>> -> memref<1024x128xf32, #tpu.memory_space<hbm>>
    tpu.wait_indirect_dma semaphore(%arg14 : memref<!tpu.dma_semaphore, #tpu.memory_space<semaphore_mem>>) src(%dma_wait3A_63 : memref<1024x128xf32, #tpu.memory_space<hbm>>) dst(%arg11 : memref<128x128xf32, #tpu.memory_space<vmem>>)
    %dma_start3A_64 = arith.constant 3 : i32
    %dma_start3A_65 = arith.constant 0 : i32
    %dma_start3A_66 = tpu.memref_slice %arg9[%dma_start3A_64, %dma_start3A_65] : memref<4x128xi32, #tpu.memory_space<vmem>> -> memref<1x128xi32, #tpu.memory_space<vmem>>
    %dma_start3A_67 = tpu.memref_squeeze %dma_start3A_66 : memref<1x128xi32, #tpu.memory_space<vmem>> -> memref<128xi32, #tpu.memory_space<vmem>>
    %dma_start3A_68 = arith.constant 0 : i32
    %dma_start3A_69 = arith.constant 0 : i32
    %dma_start3A_70 = tpu.memref_slice %arg2[%dma_start3A_68, %dma_start3A_69] : memref<1024x128xf32, #tpu.memory_space<hbm>> -> memref<1024x128xf32, #tpu.memory_space<hbm>>
    tpu.enqueue_indirect_dma source(%dma_start3A_70 : memref<1024x128xf32, #tpu.memory_space<hbm>>) target(%arg12 : memref<128x128xf32, #tpu.memory_space<vmem>>) offsets(%dma_start3A_67 : memref<128xi32, #tpu.memory_space<vmem>>) semaphore(%arg15 : memref<!tpu.dma_semaphore, #tpu.memory_space<semaphore_mem>>)
    %run_scoped3A_71 = arith.constant 2 : i32
    "tpu.region"() ({
      %run_scoped3A_85 = tpu.sem_alloc : memref<!tpu.dma_semaphore, #tpu.memory_space<semaphore_mem>>
      %dma_start3A_86 = arith.constant 0 : i32
      %dma_start3A_87 = tpu.memref_slice %arg10[%run_scoped3A_71, %dma_start3A_86] : memref<4x128xi32, #tpu.memory_space<vmem>> -> memref<1x128xi32, #tpu.memory_space<vmem>>
      %dma_start3A_88 = tpu.memref_squeeze %dma_start3A_87 : memref<1x128xi32, #tpu.memory_space<vmem>> -> memref<128xi32, #tpu.memory_space<vmem>>
      %dma_start3A_89 = arith.constant 0 : i32
      %dma_start3A_90 = arith.constant 0 : i32
      %dma_start3A_91 = tpu.memref_slice %arg13[%dma_start3A_89, %dma_start3A_90] : memref<1024x128xf32, #tpu.memory_space<vmem_shared>> -> memref<1024x128xf32, #tpu.memory_space<vmem_shared>>
      tpu.enqueue_indirect_dma source(%arg11 : memref<128x128xf32, #tpu.memory_space<vmem>>) target(%dma_start3A_91 : memref<1024x128xf32, #tpu.memory_space<vmem_shared>>) offsets(%dma_start3A_88 : memref<128xi32, #tpu.memory_space<vmem>>) semaphore(%run_scoped3A_85 : memref<!tpu.dma_semaphore, #tpu.memory_space<semaphore_mem>>) {add = true}
      %dma_wait3A_92 = arith.constant 0 : i32
      %dma_wait3A_93 = tpu.memref_slice %arg10[%run_scoped3A_71, %dma_wait3A_92] : memref<4x128xi32, #tpu.memory_space<vmem>> -> memref<1x128xi32, #tpu.memory_space<vmem>>
      %dma_wait3A_94 = tpu.memref_squeeze %dma_wait3A_93 : memref<1x128xi32, #tpu.memory_space<vmem>> -> memref<128xi32, #tpu.memory_space<vmem>>
      %dma_wait3A_95 = arith.constant 0 : i32
      %dma_wait3A_96 = arith.constant 0 : i32
      %dma_wait3A_97 = tpu.memref_slice %arg13[%dma_wait3A_95, %dma_wait3A_96] : memref<1024x128xf32, #tpu.memory_space<vmem_shared>> -> memref<1024x128xf32, #tpu.memory_space<vmem_shared>>
      tpu.wait_indirect_dma semaphore(%run_scoped3A_85 : memref<!tpu.dma_semaphore, #tpu.memory_space<semaphore_mem>>) src(%arg11 : memref<128x128xf32, #tpu.memory_space<vmem>>) dst(%dma_wait3A_97 : memref<1024x128xf32, #tpu.memory_space<vmem_shared>>)
      tpu.yield
    }) : () -> ()
    %dma_wait3A_72 = arith.constant 3 : i32
    %dma_wait3A_73 = arith.constant 0 : i32
    %dma_wait3A_74 = tpu.memref_slice %arg9[%dma_wait3A_72, %dma_wait3A_73] : memref<4x128xi32, #tpu.memory_space<vmem>> -> memref<1x128xi32, #tpu.memory_space<vmem>>
    %dma_wait3A_75 = tpu.memref_squeeze %dma_wait3A_74 : memref<1x128xi32, #tpu.memory_space<vmem>> -> memref<128xi32, #tpu.memory_space<vmem>>
    %dma_wait3A_76 = arith.constant 0 : i32
    %dma_wait3A_77 = arith.constant 0 : i32
    %dma_wait3A_78 = tpu.memref_slice %arg2[%dma_wait3A_76, %dma_wait3A_77] : memref<1024x128xf32, #tpu.memory_space<hbm>> -> memref<1024x128xf32, #tpu.memory_space<hbm>>
    tpu.wait_indirect_dma semaphore(%arg15 : memref<!tpu.dma_semaphore, #tpu.memory_space<semaphore_mem>>) src(%dma_wait3A_78 : memref<1024x128xf32, #tpu.memory_space<hbm>>) dst(%arg12 : memref<128x128xf32, #tpu.memory_space<vmem>>)
    %run_scoped3A_79 = arith.constant 3 : i32
    "tpu.region"() ({
      %run_scoped3A_85 = tpu.sem_alloc : memref<!tpu.dma_semaphore, #tpu.memory_space<semaphore_mem>>
      %dma_start3A_86 = arith.constant 0 : i32
      %dma_start3A_87 = tpu.memref_slice %arg10[%run_scoped3A_79, %dma_start3A_86] : memref<4x128xi32, #tpu.memory_space<vmem>> -> memref<1x128xi32, #tpu.memory_space<vmem>>
      %dma_start3A_88 = tpu.memref_squeeze %dma_start3A_87 : memref<1x128xi32, #tpu.memory_space<vmem>> -> memref<128xi32, #tpu.memory_space<vmem>>
      %dma_start3A_89 = arith.constant 0 : i32
      %dma_start3A_90 = arith.constant 0 : i32
      %dma_start3A_91 = tpu.memref_slice %arg13[%dma_start3A_89, %dma_start3A_90] : memref<1024x128xf32, #tpu.memory_space<vmem_shared>> -> memref<1024x128xf32, #tpu.memory_space<vmem_shared>>
      tpu.enqueue_indirect_dma source(%arg12 : memref<128x128xf32, #tpu.memory_space<vmem>>) target(%dma_start3A_91 : memref<1024x128xf32, #tpu.memory_space<vmem_shared>>) offsets(%dma_start3A_88 : memref<128xi32, #tpu.memory_space<vmem>>) semaphore(%run_scoped3A_85 : memref<!tpu.dma_semaphore, #tpu.memory_space<semaphore_mem>>) {add = true}
      %dma_wait3A_92 = arith.constant 0 : i32
      %dma_wait3A_93 = tpu.memref_slice %arg10[%run_scoped3A_79, %dma_wait3A_92] : memref<4x128xi32, #tpu.memory_space<vmem>> -> memref<1x128xi32, #tpu.memory_space<vmem>>
      %dma_wait3A_94 = tpu.memref_squeeze %dma_wait3A_93 : memref<1x128xi32, #tpu.memory_space<vmem>> -> memref<128xi32, #tpu.memory_space<vmem>>
      %dma_wait3A_95 = arith.constant 0 : i32
      %dma_wait3A_96 = arith.constant 0 : i32
      %dma_wait3A_97 = tpu.memref_slice %arg13[%dma_wait3A_95, %dma_wait3A_96] : memref<1024x128xf32, #tpu.memory_space<vmem_shared>> -> memref<1024x128xf32, #tpu.memory_space<vmem_shared>>
      tpu.wait_indirect_dma semaphore(%run_scoped3A_85 : memref<!tpu.dma_semaphore, #tpu.memory_space<semaphore_mem>>) src(%arg12 : memref<128x128xf32, #tpu.memory_space<vmem>>) dst(%dma_wait3A_97 : memref<1024x128xf32, #tpu.memory_space<vmem_shared>>)
      tpu.yield
    }) : () -> ()
    %barrier3A_80 = arith.constant 0 : index
    tpu.barrier barrier_id(%barrier3A_80)
    %mul3A_81 = arith.constant 64 : i32
    %mul3A_82 = arith.muli %arg1, %mul3A_81 : i32
    %mul3A_83 = arith.constant 64 : i32
    %mul3A_84 = arith.muli %arg1, %mul3A_83 : i32
    "tpu.region"() ({
      %run_scoped3A_85 = tpu.sem_alloc : memref<!tpu.dma_semaphore, #tpu.memory_space<semaphore_mem>>
      %dma_start3A_86 = arith.constant 0 : i32
      %dma_start3A_87 = tpu.memref_slice %arg5[%arg0, %mul3A_84, %dma_start3A_86] : memref<2x1024x128xf32, #tpu.memory_space<hbm>> -> memref<1x64x128xf32, #tpu.memory_space<hbm>>
      %dma_start3A_88 = tpu.memref_squeeze %dma_start3A_87 : memref<1x64x128xf32, #tpu.memory_space<hbm>> -> memref<64x128xf32, #tpu.memory_space<hbm>>
      %dma_start3A_89 = arith.constant 0 : i32
      %dma_start3A_90 = tpu.memref_slice %arg13[%mul3A_82, %dma_start3A_89] : memref<1024x128xf32, #tpu.memory_space<vmem_shared>> -> memref<64x128xf32, #tpu.memory_space<vmem_shared>>
      tpu.enqueue_dma source(%dma_start3A_90 : memref<64x128xf32, #tpu.memory_space<vmem_shared>>) target(%dma_start3A_88 : memref<64x128xf32, #tpu.memory_space<hbm>>) target_semaphore(%run_scoped3A_85 : memref<!tpu.dma_semaphore, #tpu.memory_space<semaphore_mem>>)
      %dma_wait3A_91 = arith.constant 0 : i32
      %dma_wait3A_92 = tpu.memref_slice %arg5[%arg0, %mul3A_84, %dma_wait3A_91] : memref<2x1024x128xf32, #tpu.memory_space<hbm>> -> memref<1x64x128xf32, #tpu.memory_space<hbm>>
      %dma_wait3A_93 = tpu.memref_squeeze %dma_wait3A_92 : memref<1x64x128xf32, #tpu.memory_space<hbm>> -> memref<64x128xf32, #tpu.memory_space<hbm>>
      %dma_wait3A_94 = arith.constant 0 : i32
      %dma_wait3A_95 = tpu.memref_slice %arg13[%mul3A_82, %dma_wait3A_94] : memref<1024x128xf32, #tpu.memory_space<vmem_shared>> -> memref<64x128xf32, #tpu.memory_space<vmem_shared>>
      tpu.wait_dma2 semaphore(%run_scoped3A_85 : memref<!tpu.dma_semaphore, #tpu.memory_space<semaphore_mem>>) src(%dma_wait3A_95 : memref<64x128xf32, #tpu.memory_space<vmem_shared>>) dst(%dma_wait3A_93 : memref<64x128xf32, #tpu.memory_space<hbm>>)
      tpu.yield
    }) : () -> ()
    return
  }
}

#map = affine_map<(d0, d1) -> (0, 0)>
#map1 = affine_map<(d0, d1) -> (0)>
#map2 = affine_map<(d0, d1) -> (0, 0, 0)>
module attributes {stable_mosaic.version = 14 : i64} {
  func.func @body(%arg0: i32, %arg1: i32, %arg2: memref<1024x128xf32, #tpu.memory_space<hbm>>, %arg3: memref<1024xi32, #tpu.memory_space<hbm>>, %arg4: memref<2x16384xi32, #tpu.memory_space<hbm>>, %arg5: memref<2x1024x128xf32, #tpu.memory_space<hbm>>, %arg6: memref<1024xi32, #tpu.memory_space<vmem>>, %arg7: memref<512xi32, #tpu.memory_space<vmem>>, %arg8: memref<512xi32, #tpu.memory_space<vmem>>, %arg9: memref<4x128xi32, #tpu.memory_space<vmem>>, %arg10: memref<4x128xi32, #tpu.memory_space<vmem>>, %arg11: memref<128x128xf32, #tpu.memory_space<vmem>>, %arg12: memref<128x128xf32, #tpu.memory_space<vmem>>, %arg13: memref<1024x128xf32, #tpu.memory_space<vmem_shared>>, %arg14: memref<!tpu.dma_semaphore, #tpu.memory_space<semaphore_mem>>, %arg15: memref<!tpu.dma_semaphore, #tpu.memory_space<semaphore_mem>>) attributes {dimension_semantics = [#tpu.dimension_semantics<core_parallel>, #tpu.dimension_semantics<subcore_parallel>], iteration_bounds = array<i64: 2, 16>, scalar_prefetch = 0 : i64, scratch_operands = 10 : i64, tpu.core_type = #tpu.core_type<sc_vector_subcore>, window_params = [{transform_indices = #map}, {transform_indices = #map1}, {transform_indices = #map}, {transform_indices = #map2}]} {
    %mul3A = arith.constant 16 : i32
    %mul3A_0 = arith.muli %arg0, %mul3A : i32
    %add3A = arith.addi %mul3A_0, %arg1 : i32
    "tpu.region"() ({
      %run_scoped3A_85 = tpu.sem_alloc : memref<!tpu.dma_semaphore, #tpu.memory_space<semaphore_mem>>
      tpu.enqueue_dma source(%arg3 : memref<1024xi32, #tpu.memory_space<hbm>>) target(%arg6 : memref<1024xi32, #tpu.memory_space<vmem>>) target_semaphore(%run_scoped3A_85 : memref<!tpu.dma_semaphore, #tpu.memory_space<semaphore_mem>>)
      tpu.wait_dma2 semaphore(%run_scoped3A_85 : memref<!tpu.dma_semaphore, #tpu.memory_space<semaphore_mem>>) src(%arg3 : memref<1024xi32, #tpu.memory_space<hbm>>) dst(%arg6 : memref<1024xi32, #tpu.memory_space<vmem>>)
      tpu.yield
    }) : () -> ()
    %mul3A_1 = arith.constant 512 : i32
    %mul3A_2 = arith.muli %add3A, %mul3A_1 : i32
    %run_scoped3A = arith.constant 0 : i32
    "tpu.region"() ({
      %run_scoped3A_85 = tpu.sem_alloc : memref<!tpu.dma_semaphore, #tpu.memory_space<semaphore_mem>>
      %dma_start3A_86 = tpu.memref_slice %arg4[%run_scoped3A, %mul3A_2] : memref<2x16384xi32, #tpu.memory_space<hbm>> -> memref<1x512xi32, #tpu.memory_space<hbm>>
      %dma_start3A_87 = tpu.memref_squeeze %dma_start3A_86 : memref<1x512xi32, #tpu.memory_space<hbm>> -> memref<512xi32, #tpu.memory_space<hbm>>
      %dma_start3A_88 = tpu.memref_slice %arg4[%run_scoped3A, %mul3A_2] : memref<2x16384xi32, #tpu.memory_space<hbm>> -> memref<1x512xi32, #tpu.memory_space<hbm>>
      %dma_start3A_89 = tpu.memref_squeeze %dma_start3A_88 : memref<1x512xi32, #tpu.memory_space<hbm>> -> memref<512xi32, #tpu.memory_space<hbm>>
      tpu.enqueue_dma source(%dma_start3A_89 : memref<512xi32, #tpu.memory_space<hbm>>) target(%arg7 : memref<512xi32, #tpu.memory_space<vmem>>) target_semaphore(%run_scoped3A_85 : memref<!tpu.dma_semaphore, #tpu.memory_space<semaphore_mem>>)
      %dma_wait3A_90 = tpu.memref_slice %arg4[%run_scoped3A, %mul3A_2] : memref<2x16384xi32, #tpu.memory_space<hbm>> -> memref<1x512xi32, #tpu.memory_space<hbm>>
      %dma_wait3A_91 = tpu.memref_squeeze %dma_wait3A_90 : memref<1x512xi32, #tpu.memory_space<hbm>> -> memref<512xi32, #tpu.memory_space<hbm>>
      %dma_wait3A_92 = tpu.memref_slice %arg4[%run_scoped3A, %mul3A_2] : memref<2x16384xi32, #tpu.memory_space<hbm>> -> memref<1x512xi32, #tpu.memory_space<hbm>>
      %dma_wait3A_93 = tpu.memref_squeeze %dma_wait3A_92 : memref<1x512xi32, #tpu.memory_space<hbm>> -> memref<512xi32, #tpu.memory_space<hbm>>
      tpu.wait_dma2 semaphore(%run_scoped3A_85 : memref<!tpu.dma_semaphore, #tpu.memory_space<semaphore_mem>>) src(%dma_wait3A_93 : memref<512xi32, #tpu.memory_space<hbm>>) dst(%arg7 : memref<512xi32, #tpu.memory_space<vmem>>)
      tpu.yield
    }) : () -> ()
    %mul3A_3 = arith.constant 512 : i32
    %mul3A_4 = arith.muli %add3A, %mul3A_3 : i32
    %run_scoped3A_5 = arith.constant 1 : i32
    "tpu.region"() ({
      %run_scoped3A_85 = tpu.sem_alloc : memref<!tpu.dma_semaphore, #tpu.memory_space<semaphore_mem>>
      %dma_start3A_86 = tpu.memref_slice %arg4[%run_scoped3A_5, %mul3A_4] : memref<2x16384xi32, #tpu.memory_space<hbm>> -> memref<1x512xi32, #tpu.memory_space<hbm>>
      %dma_start3A_87 = tpu.memref_squeeze %dma_start3A_86 : memref<1x512xi32, #tpu.memory_space<hbm>> -> memref<512xi32, #tpu.memory_space<hbm>>
      %dma_start3A_88 = tpu.memref_slice %arg4[%run_scoped3A_5, %mul3A_4] : memref<2x16384xi32, #tpu.memory_space<hbm>> -> memref<1x512xi32, #tpu.memory_space<hbm>>
      %dma_start3A_89 = tpu.memref_squeeze %dma_start3A_88 : memref<1x512xi32, #tpu.memory_space<hbm>> -> memref<512xi32, #tpu.memory_space<hbm>>
      tpu.enqueue_dma source(%dma_start3A_89 : memref<512xi32, #tpu.memory_space<hbm>>) target(%arg8 : memref<512xi32, #tpu.memory_space<vmem>>) target_semaphore(%run_scoped3A_85 : memref<!tpu.dma_semaphore, #tpu.memory_space<semaphore_mem>>)
      %dma_wait3A_90 = tpu.memref_slice %arg4[%run_scoped3A_5, %mul3A_4] : memref<2x16384xi32, #tpu.memory_space<hbm>> -> memref<1x512xi32, #tpu.memory_space<hbm>>
      %dma_wait3A_91 = tpu.memref_squeeze %dma_wait3A_90 : memref<1x512xi32, #tpu.memory_space<hbm>> -> memref<512xi32, #tpu.memory_space<hbm>>
      %dma_wait3A_92 = tpu.memref_slice %arg4[%run_scoped3A_5, %mul3A_4] : memref<2x16384xi32, #tpu.memory_space<hbm>> -> memref<1x512xi32, #tpu.memory_space<hbm>>
      %dma_wait3A_93 = tpu.memref_squeeze %dma_wait3A_92 : memref<1x512xi32, #tpu.memory_space<hbm>> -> memref<512xi32, #tpu.memory_space<hbm>>
      tpu.wait_dma2 semaphore(%run_scoped3A_85 : memref<!tpu.dma_semaphore, #tpu.memory_space<semaphore_mem>>) src(%dma_wait3A_93 : memref<512xi32, #tpu.memory_space<hbm>>) dst(%arg8 : memref<512xi32, #tpu.memory_space<vmem>>)
      tpu.yield
    }) : () -> ()
    %broadcast_in_dim3A = arith.constant 0.000000e+00 : f32
    %broadcast_in_dim3A_6 = vector.broadcast %broadcast_in_dim3A : f32 to vector<16xf32>
    %scan3A = arith.constant 0 : i32
    %scan3A_7 = arith.constant 0 : i32
    %scan3A_8 = arith.constant 64 : i32
    %scan3A_9 = arith.addi %scan3A_7, %scan3A_8 : i32
    %scan3A_10 = arith.constant 1 : i32
    %scan3A_11 = scf.for %scan3A_85 = %scan3A_7 to %scan3A_9 step %scan3A_10 iter_args(%scan3A_86 = %scan3A) -> (i32)  : i32 {
      %swap3A = arith.index_cast %scan3A_85 : i32 to index
      %swap3A_87 = arith.constant 0 : index
      %swap3A_88 = tpu.vector_load %arg11[%swap3A, %swap3A_87] {strides = array<i32>} : memref<128x128xf32, #tpu.memory_space<vmem>>, vector<16xf32>,
      tpu.vector_store %arg11[%swap3A, %swap3A_87], %broadcast_in_dim3A_6 {strides = array<i32>} : memref<128x128xf32, #tpu.memory_space<vmem>>, vector<16xf32>,
      %swap3A_89 = arith.index_cast %scan3A_85 : i32 to index
      %swap3A_90 = arith.constant 16 : index
      %swap3A_91 = tpu.vector_load %arg11[%swap3A_89, %swap3A_90] {strides = array<i32>} : memref<128x128xf32, #tpu.memory_space<vmem>>, vector<16xf32>,
      tpu.vector_store %arg11[%swap3A_89, %swap3A_90], %broadcast_in_dim3A_6 {strides = array<i32>} : memref<128x128xf32, #tpu.memory_space<vmem>>, vector<16xf32>,
      %swap3A_92 = arith.index_cast %scan3A_85 : i32 to index
      %swap3A_93 = arith.constant 32 : index
      %swap3A_94 = tpu.vector_load %arg11[%swap3A_92, %swap3A_93] {strides = array<i32>} : memref<128x128xf32, #tpu.memory_space<vmem>>, vector<16xf32>,
      tpu.vector_store %arg11[%swap3A_92, %swap3A_93], %broadcast_in_dim3A_6 {strides = array<i32>} : memref<128x128xf32, #tpu.memory_space<vmem>>, vector<16xf32>,
      %swap3A_95 = arith.index_cast %scan3A_85 : i32 to index
      %swap3A_96 = arith.constant 48 : index
      %swap3A_97 = tpu.vector_load %arg11[%swap3A_95, %swap3A_96] {strides = array<i32>} : memref<128x128xf32, #tpu.memory_space<vmem>>, vector<16xf32>,
      tpu.vector_store %arg11[%swap3A_95, %swap3A_96], %broadcast_in_dim3A_6 {strides = array<i32>} : memref<128x128xf32, #tpu.memory_space<vmem>>, vector<16xf32>,
      %swap3A_98 = arith.index_cast %scan3A_85 : i32 to index
      %swap3A_99 = arith.constant 64 : index
      %swap3A_100 = tpu.vector_load %arg11[%swap3A_98, %swap3A_99] {strides = array<i32>} : memref<128x128xf32, #tpu.memory_space<vmem>>, vector<16xf32>,
      tpu.vector_store %arg11[%swap3A_98, %swap3A_99], %broadcast_in_dim3A_6 {strides = array<i32>} : memref<128x128xf32, #tpu.memory_space<vmem>>, vector<16xf32>,
      %swap3A_101 = arith.index_cast %scan3A_85 : i32 to index
      %swap3A_102 = arith.constant 80 : index
      %swap3A_103 = tpu.vector_load %arg11[%swap3A_101, %swap3A_102] {strides = array<i32>} : memref<128x128xf32, #tpu.memory_space<vmem>>, vector<16xf32>,
      tpu.vector_store %arg11[%swap3A_101, %swap3A_102], %broadcast_in_dim3A_6 {strides = array<i32>} : memref<128x128xf32, #tpu.memory_space<vmem>>, vector<16xf32>,
      %swap3A_104 = arith.index_cast %scan3A_85 : i32 to index
      %swap3A_105 = arith.constant 96 : index
      %swap3A_106 = tpu.vector_load %arg11[%swap3A_104, %swap3A_105] {strides = array<i32>} : memref<128x128xf32, #tpu.memory_space<vmem>>, vector<16xf32>,
      tpu.vector_store %arg11[%swap3A_104, %swap3A_105], %broadcast_in_dim3A_6 {strides = array<i32>} : memref<128x128xf32, #tpu.memory_space<vmem>>, vector<16xf32>,
      %swap3A_107 = arith.index_cast %scan3A_85 : i32 to index
      %swap3A_108 = arith.constant 112 : index
      %swap3A_109 = tpu.vector_load %arg11[%swap3A_107, %swap3A_108] {strides = array<i32>} : memref<128x128xf32, #tpu.memory_space<vmem>>, vector<16xf32>,
      tpu.vector_store %arg11[%swap3A_107, %swap3A_108], %broadcast_in_dim3A_6 {strides = array<i32>} : memref<128x128xf32, #tpu.memory_space<vmem>>, vector<16xf32>,
      %scan3A_110 = arith.constant 0 : i32
      scf.yield %scan3A_110 : i32
    }
    %scan3A_12 = arith.constant 64 : i32
    %mul3A_13 = arith.constant 64 : i32
    %mul3A_14 = arith.muli %arg1, %mul3A_13 : i32
    "tpu.region"() ({
      %run_scoped3A_85 = tpu.sem_alloc : memref<!tpu.dma_semaphore, #tpu.memory_space<semaphore_mem>>
      %dma_start3A_86 = arith.constant 0 : i32
      %dma_start3A_87 = arith.constant 0 : i32
      %dma_start3A_88 = tpu.memref_slice %arg11[%dma_start3A_86, %dma_start3A_87] : memref<128x128xf32, #tpu.memory_space<vmem>> -> memref<64x128xf32, #tpu.memory_space<vmem>>
      %dma_start3A_89 = arith.constant 0 : i32
      %dma_start3A_90 = tpu.memref_slice %arg13[%mul3A_14, %dma_start3A_89] : memref<1024x128xf32, #tpu.memory_space<vmem_shared>> -> memref<64x128xf32, #tpu.memory_space<vmem_shared>>
      %dma_start3A_91 = arith.constant 0 : i32
      %dma_start3A_92 = tpu.memref_slice %arg13[%mul3A_14, %dma_start3A_91] : memref<1024x128xf32, #tpu.memory_space<vmem_shared>> -> memref<64x128xf32, #tpu.memory_space<vmem_shared>>
      %dma_start3A_93 = arith.constant 0 : i32
      %dma_start3A_94 = arith.constant 0 : i32
      %dma_start3A_95 = tpu.memref_slice %arg11[%dma_start3A_93, %dma_start3A_94] : memref<128x128xf32, #tpu.memory_space<vmem>> -> memref<64x128xf32, #tpu.memory_space<vmem>>
      tpu.enqueue_dma source(%dma_start3A_95 : memref<64x128xf32, #tpu.memory_space<vmem>>) target(%dma_start3A_92 : memref<64x128xf32, #tpu.memory_space<vmem_shared>>) target_semaphore(%run_scoped3A_85 : memref<!tpu.dma_semaphore, #tpu.memory_space<semaphore_mem>>)
      %dma_wait3A_96 = arith.constant 0 : i32
      %dma_wait3A_97 = arith.constant 0 : i32
      %dma_wait3A_98 = tpu.memref_slice %arg11[%dma_wait3A_96, %dma_wait3A_97] : memref<128x128xf32, #tpu.memory_space<vmem>> -> memref<64x128xf32, #tpu.memory_space<vmem>>
      %dma_wait3A_99 = arith.constant 0 : i32
      %dma_wait3A_100 = tpu.memref_slice %arg13[%mul3A_14, %dma_wait3A_99] : memref<1024x128xf32, #tpu.memory_space<vmem_shared>> -> memref<64x128xf32, #tpu.memory_space<vmem_shared>>
      %dma_wait3A_101 = arith.constant 0 : i32
      %dma_wait3A_102 = tpu.memref_slice %arg13[%mul3A_14, %dma_wait3A_101] : memref<1024x128xf32, #tpu.memory_space<vmem_shared>> -> memref<64x128xf32, #tpu.memory_space<vmem_shared>>
      %dma_wait3A_103 = arith.constant 0 : i32
      %dma_wait3A_104 = arith.constant 0 : i32
      %dma_wait3A_105 = tpu.memref_slice %arg11[%dma_wait3A_103, %dma_wait3A_104] : memref<128x128xf32, #tpu.memory_space<vmem>> -> memref<64x128xf32, #tpu.memory_space<vmem>>
      tpu.wait_dma2 semaphore(%run_scoped3A_85 : memref<!tpu.dma_semaphore, #tpu.memory_space<semaphore_mem>>) src(%dma_wait3A_105 : memref<64x128xf32, #tpu.memory_space<vmem>>) dst(%dma_wait3A_102 : memref<64x128xf32, #tpu.memory_space<vmem_shared>>)
      tpu.yield
    }) : () -> ()
    %barrier3A = arith.constant 0 : index
    tpu.barrier barrier_id(%barrier3A)
    %scan3A_15 = arith.constant 0 : i32
    %scan3A_16 = arith.constant 0 : i32
    %scan3A_17 = arith.constant 32 : i32
    %scan3A_18 = arith.addi %scan3A_16, %scan3A_17 : i32
    %scan3A_19 = arith.constant 1 : i32
    %scan3A_20 = scf.for %scan3A_85 = %scan3A_16 to %scan3A_18 step %scan3A_19 iter_args(%scan3A_86 = %scan3A_15) -> (i32)  : i32 {
      %mul3A_87 = arith.constant 16 : i32
      %mul3A_88 = arith.muli %scan3A_85, %mul3A_87 : i32
      %get3A = arith.index_cast %mul3A_88 : i32 to index
      %get3A_89 = tpu.vector_load %arg7[%get3A] {strides = array<i32>} : memref<512xi32, #tpu.memory_space<vmem>>, vector<16xi32>,
      %mul3A_90 = arith.constant 16 : i32
      %mul3A_91 = arith.muli %scan3A_85, %mul3A_90 : i32
      %get3A_92 = arith.index_cast %mul3A_91 : i32 to index
      %get3A_93 = tpu.vector_load %arg8[%get3A_92] {strides = array<i32>} : memref<512xi32, #tpu.memory_space<vmem>>, vector<16xi32>,
      %gather3A = tpu.vector_load_idx %arg6[%get3A_89] : memref<1024xi32, #tpu.memory_space<vmem>>[vector<16xi32>], vector<16xi32>,
      %gather3A_94 = tpu.vector_load_idx %arg6[%get3A_93] : memref<1024xi32, #tpu.memory_space<vmem>>[vector<16xi32>], vector<16xi32>,
      %jit3A = arith.constant 8 : i32
      %div3A = arith.divsi %scan3A_85, %jit3A : i32
      %sign3A = arith.constant 0 : i32
      %sign3A_95 = arith.cmpi sgt, %scan3A_85, %sign3A : i32
      %sign3A_96 = arith.extui %sign3A_95 : i1 to i32
      %sign3A_97 = arith.constant 0 : i32
      %sign3A_98 = arith.cmpi slt, %scan3A_85, %sign3A_97 : i32
      %sign3A_99 = arith.extui %sign3A_98 : i1 to i32
      %sign3A_100 = arith.subi %sign3A_96, %sign3A_99 : i32
      %sign3A_101 = arith.constant 0 : i32
      %sign3A_102 = arith.cmpi sgt, %jit3A, %sign3A_101 : i32
      %sign3A_103 = arith.extui %sign3A_102 : i1 to i32
      %sign3A_104 = arith.constant 0 : i32
      %sign3A_105 = arith.cmpi slt, %jit3A, %sign3A_104 : i32
      %sign3A_106 = arith.extui %sign3A_105 : i1 to i32
      %sign3A_107 = arith.subi %sign3A_103, %sign3A_106 : i32
      %ne3A = arith.cmpi ne, %sign3A_100, %sign3A_107 : i32
      %rem3A = arith.remsi %scan3A_85, %jit3A : i32
      %ne3A_108 = arith.constant 0 : i32
      %ne3A_109 = arith.cmpi ne, %rem3A, %ne3A_108 : i32
      %and3A = arith.andi %ne3A, %ne3A_109 : i1
      %sub3A = arith.constant 1 : i32
      %sub3A_110 = arith.subi %div3A, %sub3A : i32
      %select_n3A = arith.select %and3A, %sub3A_110, %div3A : i32
      %jit3A_111 = arith.constant 8 : i32
      %eq3A = arith.constant 0 : i32
      %eq3A_112 = arith.cmpi eq, %jit3A_111, %eq3A : i32
      %jit3A_113 = arith.constant 1 : i32
      %select_n3A_114 = arith.select %eq3A_112, %jit3A_113, %jit3A_111 : i32
      %rem3A_115 = arith.remsi %scan3A_85, %select_n3A_114 : i32
      %ne3A_116 = arith.constant 0 : i32
      %ne3A_117 = arith.cmpi ne, %rem3A_115, %ne3A_116 : i32
      %lt3A = arith.constant 0 : i32
      %lt3A_118 = arith.cmpi slt, %rem3A_115, %lt3A : i32
      %lt3A_119 = arith.constant 0 : i32
      %lt3A_120 = arith.cmpi slt, %select_n3A_114, %lt3A_119 : i32
      %ne3A_121 = arith.xori %lt3A_118, %lt3A_120 : i1
      %and3A_122 = arith.andi %ne3A_121, %ne3A_117 : i1
      %add3A_123 = arith.addi %rem3A_115, %select_n3A_114 : i32
      %select_n3A_124 = arith.select %and3A_122, %add3A_123, %rem3A_115 : i32
      %mul3A_125 = arith.constant 16 : i32
      %mul3A_126 = arith.muli %select_n3A_124, %mul3A_125 : i32
      %swap3A = arith.index_cast %select_n3A : i32 to index
      %swap3A_127 = arith.index_cast %mul3A_126 : i32 to index
      %swap3A_128 = tpu.vector_load %arg9[%swap3A, %swap3A_127] {strides = array<i32>} : memref<4x128xi32, #tpu.memory_space<vmem>>, vector<16xi32>,
      tpu.vector_store %arg9[%swap3A, %swap3A_127], %gather3A {strides = array<i32>} : memref<4x128xi32, #tpu.memory_space<vmem>>, vector<16xi32>,
      %swap3A_129 = arith.index_cast %select_n3A : i32 to index
      %swap3A_130 = arith.index_cast %mul3A_126 : i32 to index
      %swap3A_131 = tpu.vector_load %arg10[%swap3A_129, %swap3A_130] {strides = array<i32>} : memref<4x128xi32, #tpu.memory_space<vmem>>, vector<16xi32>,
      tpu.vector_store %arg10[%swap3A_129, %swap3A_130], %gather3A_94 {strides = array<i32>} : memref<4x128xi32, #tpu.memory_space<vmem>>, vector<16xi32>,
      %scan3A_132 = arith.constant 0 : i32
      scf.yield %scan3A_132 : i32
    }
    %scan3A_21 = arith.constant 32 : i32
    %dma_start3A = arith.constant 0 : i32
    %dma_start3A_22 = arith.constant 0 : i32
    %dma_start3A_23 = tpu.memref_slice %arg9[%dma_start3A, %dma_start3A_22] : memref<4x128xi32, #tpu.memory_space<vmem>> -> memref<1x128xi32, #tpu.memory_space<vmem>>
    %dma_start3A_24 = tpu.memref_squeeze %dma_start3A_23 : memref<1x128xi32, #tpu.memory_space<vmem>> -> memref<128xi32, #tpu.memory_space<vmem>>
    %dma_start3A_25 = arith.constant 0 : i32
    %dma_start3A_26 = arith.constant 0 : i32
    %dma_start3A_27 = tpu.memref_slice %arg2[%dma_start3A_25, %dma_start3A_26] : memref<1024x128xf32, #tpu.memory_space<hbm>> -> memref<1024x128xf32, #tpu.memory_space<hbm>>
    tpu.enqueue_indirect_dma source(%dma_start3A_27 : memref<1024x128xf32, #tpu.memory_space<hbm>>) target(%arg11 : memref<128x128xf32, #tpu.memory_space<vmem>>) offsets(%dma_start3A_24 : memref<128xi32, #tpu.memory_space<vmem>>) semaphore(%arg14 : memref<!tpu.dma_semaphore, #tpu.memory_space<semaphore_mem>>)
    %dma_wait3A = arith.constant 0 : i32
    %dma_wait3A_28 = arith.constant 0 : i32
    %dma_wait3A_29 = tpu.memref_slice %arg9[%dma_wait3A, %dma_wait3A_28] : memref<4x128xi32, #tpu.memory_space<vmem>> -> memref<1x128xi32, #tpu.memory_space<vmem>>
    %dma_wait3A_30 = tpu.memref_squeeze %dma_wait3A_29 : memref<1x128xi32, #tpu.memory_space<vmem>> -> memref<128xi32, #tpu.memory_space<vmem>>
    %dma_wait3A_31 = arith.constant 0 : i32
    %dma_wait3A_32 = arith.constant 0 : i32
    %dma_wait3A_33 = tpu.memref_slice %arg2[%dma_wait3A_31, %dma_wait3A_32] : memref<1024x128xf32, #tpu.memory_space<hbm>> -> memref<1024x128xf32, #tpu.memory_space<hbm>>
    tpu.wait_indirect_dma semaphore(%arg14 : memref<!tpu.dma_semaphore, #tpu.memory_space<semaphore_mem>>) src(%dma_wait3A_33 : memref<1024x128xf32, #tpu.memory_space<hbm>>) dst(%arg11 : memref<128x128xf32, #tpu.memory_space<vmem>>)
    %dma_start3A_34 = arith.constant 1 : i32
    %dma_start3A_35 = arith.constant 0 : i32
    %dma_start3A_36 = tpu.memref_slice %arg9[%dma_start3A_34, %dma_start3A_35] : memref<4x128xi32, #tpu.memory_space<vmem>> -> memref<1x128xi32, #tpu.memory_space<vmem>>
    %dma_start3A_37 = tpu.memref_squeeze %dma_start3A_36 : memref<1x128xi32, #tpu.memory_space<vmem>> -> memref<128xi32, #tpu.memory_space<vmem>>
    %dma_start3A_38 = arith.constant 0 : i32
    %dma_start3A_39 = arith.constant 0 : i32
    %dma_start3A_40 = tpu.memref_slice %arg2[%dma_start3A_38, %dma_start3A_39] : memref<1024x128xf32, #tpu.memory_space<hbm>> -> memref<1024x128xf32, #tpu.memory_space<hbm>>
    tpu.enqueue_indirect_dma source(%dma_start3A_40 : memref<1024x128xf32, #tpu.memory_space<hbm>>) target(%arg12 : memref<128x128xf32, #tpu.memory_space<vmem>>) offsets(%dma_start3A_37 : memref<128xi32, #tpu.memory_space<vmem>>) semaphore(%arg15 : memref<!tpu.dma_semaphore, #tpu.memory_space<semaphore_mem>>)
    %run_scoped3A_41 = arith.constant 0 : i32
    "tpu.region"() ({
      %run_scoped3A_85 = tpu.sem_alloc : memref<!tpu.dma_semaphore, #tpu.memory_space<semaphore_mem>>
      %dma_start3A_86 = arith.constant 0 : i32
      %dma_start3A_87 = tpu.memref_slice %arg10[%run_scoped3A_41, %dma_start3A_86] : memref<4x128xi32, #tpu.memory_space<vmem>> -> memref<1x128xi32, #tpu.memory_space<vmem>>
      %dma_start3A_88 = tpu.memref_squeeze %dma_start3A_87 : memref<1x128xi32, #tpu.memory_space<vmem>> -> memref<128xi32, #tpu.memory_space<vmem>>
      %dma_start3A_89 = arith.constant 0 : i32
      %dma_start3A_90 = arith.constant 0 : i32
      %dma_start3A_91 = tpu.memref_slice %arg13[%dma_start3A_89, %dma_start3A_90] : memref<1024x128xf32, #tpu.memory_space<vmem_shared>> -> memref<1024x128xf32, #tpu.memory_space<vmem_shared>>
      tpu.enqueue_indirect_dma source(%arg11 : memref<128x128xf32, #tpu.memory_space<vmem>>) target(%dma_start3A_91 : memref<1024x128xf32, #tpu.memory_space<vmem_shared>>) offsets(%dma_start3A_88 : memref<128xi32, #tpu.memory_space<vmem>>) semaphore(%run_scoped3A_85 : memref<!tpu.dma_semaphore, #tpu.memory_space<semaphore_mem>>) {add = true}
      %dma_wait3A_92 = arith.constant 0 : i32
      %dma_wait3A_93 = tpu.memref_slice %arg10[%run_scoped3A_41, %dma_wait3A_92] : memref<4x128xi32, #tpu.memory_space<vmem>> -> memref<1x128xi32, #tpu.memory_space<vmem>>
      %dma_wait3A_94 = tpu.memref_squeeze %dma_wait3A_93 : memref<1x128xi32, #tpu.memory_space<vmem>> -> memref<128xi32, #tpu.memory_space<vmem>>
      %dma_wait3A_95 = arith.constant 0 : i32
      %dma_wait3A_96 = arith.constant 0 : i32
      %dma_wait3A_97 = tpu.memref_slice %arg13[%dma_wait3A_95, %dma_wait3A_96] : memref<1024x128xf32, #tpu.memory_space<vmem_shared>> -> memref<1024x128xf32, #tpu.memory_space<vmem_shared>>
      tpu.wait_indirect_dma semaphore(%run_scoped3A_85 : memref<!tpu.dma_semaphore, #tpu.memory_space<semaphore_mem>>) src(%arg11 : memref<128x128xf32, #tpu.memory_space<vmem>>) dst(%dma_wait3A_97 : memref<1024x128xf32, #tpu.memory_space<vmem_shared>>)
      tpu.yield
    }) : () -> ()
    %dma_wait3A_42 = arith.constant 1 : i32
    %dma_wait3A_43 = arith.constant 0 : i32
    %dma_wait3A_44 = tpu.memref_slice %arg9[%dma_wait3A_42, %dma_wait3A_43] : memref<4x128xi32, #tpu.memory_space<vmem>> -> memref<1x128xi32, #tpu.memory_space<vmem>>
    %dma_wait3A_45 = tpu.memref_squeeze %dma_wait3A_44 : memref<1x128xi32, #tpu.memory_space<vmem>> -> memref<128xi32, #tpu.memory_space<vmem>>
    %dma_wait3A_46 = arith.constant 0 : i32
    %dma_wait3A_47 = arith.constant 0 : i32
    %dma_wait3A_48 = tpu.memref_slice %arg2[%dma_wait3A_46, %dma_wait3A_47] : memref<1024x128xf32, #tpu.memory_space<hbm>> -> memref<1024x128xf32, #tpu.memory_space<hbm>>
    tpu.wait_indirect_dma semaphore(%arg15 : memref<!tpu.dma_semaphore, #tpu.memory_space<semaphore_mem>>) src(%dma_wait3A_48 : memref<1024x128xf32, #tpu.memory_space<hbm>>) dst(%arg12 : memref<128x128xf32, #tpu.memory_space<vmem>>)
    %dma_start3A_49 = arith.constant 2 : i32
    %dma_start3A_50 = arith.constant 0 : i32
    %dma_start3A_51 = tpu.memref_slice %arg9[%dma_start3A_49, %dma_start3A_50] : memref<4x128xi32, #tpu.memory_space<vmem>> -> memref<1x128xi32, #tpu.memory_space<vmem>>
    %dma_start3A_52 = tpu.memref_squeeze %dma_start3A_51 : memref<1x128xi32, #tpu.memory_space<vmem>> -> memref<128xi32, #tpu.memory_space<vmem>>
    %dma_start3A_53 = arith.constant 0 : i32
    %dma_start3A_54 = arith.constant 0 : i32
    %dma_start3A_55 = tpu.memref_slice %arg2[%dma_start3A_53, %dma_start3A_54] : memref<1024x128xf32, #tpu.memory_space<hbm>> -> memref<1024x128xf32, #tpu.memory_space<hbm>>
    tpu.enqueue_indirect_dma source(%dma_start3A_55 : memref<1024x128xf32, #tpu.memory_space<hbm>>) target(%arg11 : memref<128x128xf32, #tpu.memory_space<vmem>>) offsets(%dma_start3A_52 : memref<128xi32, #tpu.memory_space<vmem>>) semaphore(%arg14 : memref<!tpu.dma_semaphore, #tpu.memory_space<semaphore_mem>>)
    %run_scoped3A_56 = arith.constant 1 : i32
    "tpu.region"() ({
      %run_scoped3A_85 = tpu.sem_alloc : memref<!tpu.dma_semaphore, #tpu.memory_space<semaphore_mem>>
      %dma_start3A_86 = arith.constant 0 : i32
      %dma_start3A_87 = tpu.memref_slice %arg10[%run_scoped3A_56, %dma_start3A_86] : memref<4x128xi32, #tpu.memory_space<vmem>> -> memref<1x128xi32, #tpu.memory_space<vmem>>
      %dma_start3A_88 = tpu.memref_squeeze %dma_start3A_87 : memref<1x128xi32, #tpu.memory_space<vmem>> -> memref<128xi32, #tpu.memory_space<vmem>>
      %dma_start3A_89 = arith.constant 0 : i32
      %dma_start3A_90 = arith.constant 0 : i32
      %dma_start3A_91 = tpu.memref_slice %arg13[%dma_start3A_89, %dma_start3A_90] : memref<1024x128xf32, #tpu.memory_space<vmem_shared>> -> memref<1024x128xf32, #tpu.memory_space<vmem_shared>>
      tpu.enqueue_indirect_dma source(%arg12 : memref<128x128xf32, #tpu.memory_space<vmem>>) target(%dma_start3A_91 : memref<1024x128xf32, #tpu.memory_space<vmem_shared>>) offsets(%dma_start3A_88 : memref<128xi32, #tpu.memory_space<vmem>>) semaphore(%run_scoped3A_85 : memref<!tpu.dma_semaphore, #tpu.memory_space<semaphore_mem>>) {add = true}
      %dma_wait3A_92 = arith.constant 0 : i32
      %dma_wait3A_93 = tpu.memref_slice %arg10[%run_scoped3A_56, %dma_wait3A_92] : memref<4x128xi32, #tpu.memory_space<vmem>> -> memref<1x128xi32, #tpu.memory_space<vmem>>
      %dma_wait3A_94 = tpu.memref_squeeze %dma_wait3A_93 : memref<1x128xi32, #tpu.memory_space<vmem>> -> memref<128xi32, #tpu.memory_space<vmem>>
      %dma_wait3A_95 = arith.constant 0 : i32
      %dma_wait3A_96 = arith.constant 0 : i32
      %dma_wait3A_97 = tpu.memref_slice %arg13[%dma_wait3A_95, %dma_wait3A_96] : memref<1024x128xf32, #tpu.memory_space<vmem_shared>> -> memref<1024x128xf32, #tpu.memory_space<vmem_shared>>
      tpu.wait_indirect_dma semaphore(%run_scoped3A_85 : memref<!tpu.dma_semaphore, #tpu.memory_space<semaphore_mem>>) src(%arg12 : memref<128x128xf32, #tpu.memory_space<vmem>>) dst(%dma_wait3A_97 : memref<1024x128xf32, #tpu.memory_space<vmem_shared>>)
      tpu.yield
    }) : () -> ()
    %dma_wait3A_57 = arith.constant 2 : i32
    %dma_wait3A_58 = arith.constant 0 : i32
    %dma_wait3A_59 = tpu.memref_slice %arg9[%dma_wait3A_57, %dma_wait3A_58] : memref<4x128xi32, #tpu.memory_space<vmem>> -> memref<1x128xi32, #tpu.memory_space<vmem>>
    %dma_wait3A_60 = tpu.memref_squeeze %dma_wait3A_59 : memref<1x128xi32, #tpu.memory_space<vmem>> -> memref<128xi32, #tpu.memory_space<vmem>>
    %dma_wait3A_61 = arith.constant 0 : i32
    %dma_wait3A_62 = arith.constant 0 : i32
    %dma_wait3A_63 = tpu.memref_slice %arg2[%dma_wait3A_61, %dma_wait3A_62] : memref<1024x128xf32, #tpu.memory_space<hbm>> -> memref<1024x128xf32, #tpu.memory_space<hbm>>
    tpu.wait_indirect_dma semaphore(%arg14 : memref<!tpu.dma_semaphore, #tpu.memory_space<semaphore_mem>>) src(%dma_wait3A_63 : memref<1024x128xf32, #tpu.memory_space<hbm>>) dst(%arg11 : memref<128x128xf32, #tpu.memory_space<vmem>>)
    %dma_start3A_64 = arith.constant 3 : i32
    %dma_start3A_65 = arith.constant 0 : i32
    %dma_start3A_66 = tpu.memref_slice %arg9[%dma_start3A_64, %dma_start3A_65] : memref<4x128xi32, #tpu.memory_space<vmem>> -> memref<1x128xi32, #tpu.memory_space<vmem>>
    %dma_start3A_67 = tpu.memref_squeeze %dma_start3A_66 : memref<1x128xi32, #tpu.memory_space<vmem>> -> memref<128xi32, #tpu.memory_space<vmem>>
    %dma_start3A_68 = arith.constant 0 : i32
    %dma_start3A_69 = arith.constant 0 : i32
    %dma_start3A_70 = tpu.memref_slice %arg2[%dma_start3A_68, %dma_start3A_69] : memref<1024x128xf32, #tpu.memory_space<hbm>> -> memref<1024x128xf32, #tpu.memory_space<hbm>>
    tpu.enqueue_indirect_dma source(%dma_start3A_70 : memref<1024x128xf32, #tpu.memory_space<hbm>>) target(%arg12 : memref<128x128xf32, #tpu.memory_space<vmem>>) offsets(%dma_start3A_67 : memref<128xi32, #tpu.memory_space<vmem>>) semaphore(%arg15 : memref<!tpu.dma_semaphore, #tpu.memory_space<semaphore_mem>>)
    %run_scoped3A_71 = arith.constant 2 : i32
    "tpu.region"() ({
      %run_scoped3A_85 = tpu.sem_alloc : memref<!tpu.dma_semaphore, #tpu.memory_space<semaphore_mem>>
      %dma_start3A_86 = arith.constant 0 : i32
      %dma_start3A_87 = tpu.memref_slice %arg10[%run_scoped3A_71, %dma_start3A_86] : memref<4x128xi32, #tpu.memory_space<vmem>> -> memref<1x128xi32, #tpu.memory_space<vmem>>
      %dma_start3A_88 = tpu.memref_squeeze %dma_start3A_87 : memref<1x128xi32, #tpu.memory_space<vmem>> -> memref<128xi32, #tpu.memory_space<vmem>>
      %dma_start3A_89 = arith.constant 0 : i32
      %dma_start3A_90 = arith.constant 0 : i32
      %dma_start3A_91 = tpu.memref_slice %arg13[%dma_start3A_89, %dma_start3A_90] : memref<1024x128xf32, #tpu.memory_space<vmem_shared>> -> memref<1024x128xf32, #tpu.memory_space<vmem_shared>>
      tpu.enqueue_indirect_dma source(%arg11 : memref<128x128xf32, #tpu.memory_space<vmem>>) target(%dma_start3A_91 : memref<1024x128xf32, #tpu.memory_space<vmem_shared>>) offsets(%dma_start3A_88 : memref<128xi32, #tpu.memory_space<vmem>>) semaphore(%run_scoped3A_85 : memref<!tpu.dma_semaphore, #tpu.memory_space<semaphore_mem>>) {add = true}
      %dma_wait3A_92 = arith.constant 0 : i32
      %dma_wait3A_93 = tpu.memref_slice %arg10[%run_scoped3A_71, %dma_wait3A_92] : memref<4x128xi32, #tpu.memory_space<vmem>> -> memref<1x128xi32, #tpu.memory_space<vmem>>
      %dma_wait3A_94 = tpu.memref_squeeze %dma_wait3A_93 : memref<1x128xi32, #tpu.memory_space<vmem>> -> memref<128xi32, #tpu.memory_space<vmem>>
      %dma_wait3A_95 = arith.constant 0 : i32
      %dma_wait3A_96 = arith.constant 0 : i32
      %dma_wait3A_97 = tpu.memref_slice %arg13[%dma_wait3A_95, %dma_wait3A_96] : memref<1024x128xf32, #tpu.memory_space<vmem_shared>> -> memref<1024x128xf32, #tpu.memory_space<vmem_shared>>
      tpu.wait_indirect_dma semaphore(%run_scoped3A_85 : memref<!tpu.dma_semaphore, #tpu.memory_space<semaphore_mem>>) src(%arg11 : memref<128x128xf32, #tpu.memory_space<vmem>>) dst(%dma_wait3A_97 : memref<1024x128xf32, #tpu.memory_space<vmem_shared>>)
      tpu.yield
    }) : () -> ()
    %dma_wait3A_72 = arith.constant 3 : i32
    %dma_wait3A_73 = arith.constant 0 : i32
    %dma_wait3A_74 = tpu.memref_slice %arg9[%dma_wait3A_72, %dma_wait3A_73] : memref<4x128xi32, #tpu.memory_space<vmem>> -> memref<1x128xi32, #tpu.memory_space<vmem>>
    %dma_wait3A_75 = tpu.memref_squeeze %dma_wait3A_74 : memref<1x128xi32, #tpu.memory_space<vmem>> -> memref<128xi32, #tpu.memory_space<vmem>>
    %dma_wait3A_76 = arith.constant 0 : i32
    %dma_wait3A_77 = arith.constant 0 : i32
    %dma_wait3A_78 = tpu.memref_slice %arg2[%dma_wait3A_76, %dma_wait3A_77] : memref<1024x128xf32, #tpu.memory_space<hbm>> -> memref<1024x128xf32, #tpu.memory_space<hbm>>
    tpu.wait_indirect_dma semaphore(%arg15 : memref<!tpu.dma_semaphore, #tpu.memory_space<semaphore_mem>>) src(%dma_wait3A_78 : memref<1024x128xf32, #tpu.memory_space<hbm>>) dst(%arg12 : memref<128x128xf32, #tpu.memory_space<vmem>>)
    %run_scoped3A_79 = arith.constant 3 : i32
    "tpu.region"() ({
      %run_scoped3A_85 = tpu.sem_alloc : memref<!tpu.dma_semaphore, #tpu.memory_space<semaphore_mem>>
      %dma_start3A_86 = arith.constant 0 : i32
      %dma_start3A_87 = tpu.memref_slice %arg10[%run_scoped3A_79, %dma_start3A_86] : memref<4x128xi32, #tpu.memory_space<vmem>> -> memref<1x128xi32, #tpu.memory_space<vmem>>
      %dma_start3A_88 = tpu.memref_squeeze %dma_start3A_87 : memref<1x128xi32, #tpu.memory_space<vmem>> -> memref<128xi32, #tpu.memory_space<vmem>>
      %dma_start3A_89 = arith.constant 0 : i32
      %dma_start3A_90 = arith.constant 0 : i32
      %dma_start3A_91 = tpu.memref_slice %arg13[%dma_start3A_89, %dma_start3A_90] : memref<1024x128xf32, #tpu.memory_space<vmem_shared>> -> memref<1024x128xf32, #tpu.memory_space<vmem_shared>>
      tpu.enqueue_indirect_dma source(%arg12 : memref<128x128xf32, #tpu.memory_space<vmem>>) target(%dma_start3A_91 : memref<1024x128xf32, #tpu.memory_space<vmem_shared>>) offsets(%dma_start3A_88 : memref<128xi32, #tpu.memory_space<vmem>>) semaphore(%run_scoped3A_85 : memref<!tpu.dma_semaphore, #tpu.memory_space<semaphore_mem>>) {add = true}
      %dma_wait3A_92 = arith.constant 0 : i32
      %dma_wait3A_93 = tpu.memref_slice %arg10[%run_scoped3A_79, %dma_wait3A_92] : memref<4x128xi32, #tpu.memory_space<vmem>> -> memref<1x128xi32, #tpu.memory_space<vmem>>
      %dma_wait3A_94 = tpu.memref_squeeze %dma_wait3A_93 : memref<1x128xi32, #tpu.memory_space<vmem>> -> memref<128xi32, #tpu.memory_space<vmem>>
      %dma_wait3A_95 = arith.constant 0 : i32
      %dma_wait3A_96 = arith.constant 0 : i32
      %dma_wait3A_97 = tpu.memref_slice %arg13[%dma_wait3A_95, %dma_wait3A_96] : memref<1024x128xf32, #tpu.memory_space<vmem_shared>> -> memref<1024x128xf32, #tpu.memory_space<vmem_shared>>
      tpu.wait_indirect_dma semaphore(%run_scoped3A_85 : memref<!tpu.dma_semaphore, #tpu.memory_space<semaphore_mem>>) src(%arg12 : memref<128x128xf32, #tpu.memory_space<vmem>>) dst(%dma_wait3A_97 : memref<1024x128xf32, #tpu.memory_space<vmem_shared>>)
      tpu.yield
    }) : () -> ()
    %barrier3A_80 = arith.constant 0 : index
    tpu.barrier barrier_id(%barrier3A_80)
    %mul3A_81 = arith.constant 64 : i32
    %mul3A_82 = arith.muli %arg1, %mul3A_81 : i32
    %mul3A_83 = arith.constant 64 : i32
    %mul3A_84 = arith.muli %arg1, %mul3A_83 : i32
    "tpu.region"() ({
      %run_scoped3A_85 = tpu.sem_alloc : memref<!tpu.dma_semaphore, #tpu.memory_space<semaphore_mem>>
      %dma_start3A_86 = arith.constant 0 : i32
      %dma_start3A_87 = tpu.memref_slice %arg5[%arg0, %mul3A_84, %dma_start3A_86] : memref<2x1024x128xf32, #tpu.memory_space<hbm>> -> memref<1x64x128xf32, #tpu.memory_space<hbm>>
      %dma_start3A_88 = tpu.memref_squeeze %dma_start3A_87 : memref<1x64x128xf32, #tpu.memory_space<hbm>> -> memref<64x128xf32, #tpu.memory_space<hbm>>
      %dma_start3A_89 = arith.constant 0 : i32
      %dma_start3A_90 = tpu.memref_slice %arg13[%mul3A_82, %dma_start3A_89] : memref<1024x128xf32, #tpu.memory_space<vmem_shared>> -> memref<64x128xf32, #tpu.memory_space<vmem_shared>>
      tpu.enqueue_dma source(%dma_start3A_90 : memref<64x128xf32, #tpu.memory_space<vmem_shared>>) target(%dma_start3A_88 : memref<64x128xf32, #tpu.memory_space<hbm>>) target_semaphore(%run_scoped3A_85 : memref<!tpu.dma_semaphore, #tpu.memory_space<semaphore_mem>>)
      %dma_wait3A_91 = arith.constant 0 : i32
      %dma_wait3A_92 = tpu.memref_slice %arg5[%arg0, %mul3A_84, %dma_wait3A_91] : memref<2x1024x128xf32, #tpu.memory_space<hbm>> -> memref<1x64x128xf32, #tpu.memory_space<hbm>>
      %dma_wait3A_93 = tpu.memref_squeeze %dma_wait3A_92 : memref<1x64x128xf32, #tpu.memory_space<hbm>> -> memref<64x128xf32, #tpu.memory_space<hbm>>
      %dma_wait3A_94 = arith.constant 0 : i32
      %dma_wait3A_95 = tpu.memref_slice %arg13[%mul3A_82, %dma_wait3A_94] : memref<1024x128xf32, #tpu.memory_space<vmem_shared>> -> memref<64x128xf32, #tpu.memory_space<vmem_shared>>
      tpu.wait_dma2 semaphore(%run_scoped3A_85 : memref<!tpu.dma_semaphore, #tpu.memory_space<semaphore_mem>>) src(%dma_wait3A_95 : memref<64x128xf32, #tpu.memory_space<vmem_shared>>) dst(%dma_wait3A_93 : memref<64x128xf32, #tpu.memory_space<hbm>>)
      tpu.yield
    }) : () -> ()
    return
  }
}

module attributes {stable_mosaic.version = 14 : i64} {
  func.func @_tc1b_body(%arg0: i32, %arg1: memref<128x1024xf32, #tpu.memory_space<vmem>>, %arg2: memref<128x1024xf32, #tpu.memory_space<vmem>>, %arg3: memref<128x256xf32, #tpu.memory_space<vmem>>, %arg4: memref<256x32xf32, #tpu.memory_space<vmem>>, %arg5: memref<128xi32, #tpu.memory_space<vmem>>, %arg6: memref<128x32xf32, #tpu.memory_space<vmem>>) attributes {dimension_semantics = [#tpu.dimension_semantics<parallel>], iteration_bounds = array<i64: 8>, scalar_prefetch = 0 : i64, scratch_operands = 0 : i64, tpu.core_type = #tpu.core_type<tc>, window_params = [{transform_indices = @transform_0, window_bounds = array<i64: 128, 1024>}, {transform_indices = @transform_1, window_bounds = array<i64: 128, 1024>}, {transform_indices = @transform_2, window_bounds = array<i64: 128, 256>}, {pipeline_mode = #tpu.pipeline_mode<synchronous>, transform_indices = @transform_3, window_bounds = array<i64: 256, 32>}, {transform_indices = @transform_4, window_bounds = array<i64: 128>}, {transform_indices = @transform_5, window_bounds = array<i64: 128, 32>}]} {
    %iota3A = tpu.iota {dimensions = array<i32: 1>} : vector<128x1024xi32>
    %get3A = arith.constant 0 : index
    %get3A_0 = arith.constant 0 : index
    %get3A_1 = vector.load %arg1[%get3A, %get3A_0] : memref<128x1024xf32, #tpu.memory_space<vmem>>, vector<128x1024xf32>
    %get3A_2 = arith.constant 0 : index
    %get3A_3 = arith.constant 0 : index
    %get3A_4 = vector.load %arg2[%get3A_2, %get3A_3] : memref<128x1024xf32, #tpu.memory_space<vmem>>, vector<128x1024xf32>
    %add3A = arith.addf %get3A_1, %get3A_4 : vector<128x1024xf32>
    %reduce_max3A = arith.constant dense<0xFF800000> : vector<128xf32>
    %reduce_max3A_5 = vector.multi_reduction <maximumf>, %add3A, %reduce_max3A [1] : vector<128x1024xf32> to vector<128xf32>
    %broadcast_in_dim3A = vector.shape_cast %reduce_max3A_5 : vector<128xf32> to vector<128x1xf32>
    %ge3A = vector.broadcast %broadcast_in_dim3A : vector<128x1xf32> to vector<128x1024xf32>
    %ge3A_6 = arith.cmpf oge, %add3A, %ge3A : vector<128x1024xf32>
    %jit3A = arith.constant 1024 : i32
    %broadcast_in_dim3A_7 = vector.broadcast %jit3A : i32 to vector<128x1024xi32>
    %select_n3A = arith.select %ge3A_6, %iota3A, %broadcast_in_dim3A_7 : vector<128x1024xi1>, vector<128x1024xi32>
    %reduce_min3A = arith.constant dense<2147483647> : vector<128xi32>
    %reduce_min3A_8 = vector.multi_reduction <minsi>, %select_n3A, %reduce_min3A [1] : vector<128x1024xi32> to vector<128xi32>
    %swap3A = arith.constant 0 : index
    %swap3A_9 = vector.load %arg5[%swap3A] : memref<128xi32, #tpu.memory_space<vmem>>, vector<128xi32>
    tpu.vector_store %arg5[%swap3A], %reduce_min3A_8 {strides = array<i32>} : memref<128xi32, #tpu.memory_space<vmem>>, vector<128xi32>,
    %get3A_10 = arith.constant 0 : index
    %get3A_11 = arith.constant 0 : index
    %get3A_12 = vector.load %arg3[%get3A_10, %get3A_11] : memref<128x256xf32, #tpu.memory_space<vmem>>, vector<128x256xf32>
    %get3A_13 = arith.constant 0 : index
    %get3A_14 = arith.constant 0 : index
    %get3A_15 = vector.load %arg4[%get3A_13, %get3A_14] : memref<256x32xf32, #tpu.memory_space<vmem>>, vector<256x32xf32>
    %dot_general3A = arith.constant dense<0.000000e+00> : vector<128x32xf32>
    %dot_general3A_16 = tpu.matmul %get3A_12, %get3A_15, %dot_general3A {dimension_numbers = #tpu.dot_dimension_numbers<[1], [0], [0], [1], [0, 0, 1, 1], [], []>, transpose_lhs_hint = false} : vector<128x256xf32>, vector<256x32xf32>, vector<128x32xf32> -> vector<128x32xf32>
    %swap3A_17 = arith.constant 0 : index
    %swap3A_18 = arith.constant 0 : index
    %swap3A_19 = vector.load %arg6[%swap3A_17, %swap3A_18] : memref<128x32xf32, #tpu.memory_space<vmem>>, vector<128x32xf32>
    tpu.vector_store %arg6[%swap3A_17, %swap3A_18], %dot_general3A_16 {strides = array<i32>} : memref<128x32xf32, #tpu.memory_space<vmem>>, vector<128x32xf32>,
    return
  }
  func.func @transform_0(%arg0: i32) -> (i32, i32) {
    %c0_i32 = arith.constant 0 : i32
    %c0_i32_0 = arith.constant 0 : i32
    return %arg0, %c0_i32 : i32, i32
  }
  func.func @transform_1(%arg0: i32) -> (i32, i32) {
    %c0_i32 = arith.constant 0 : i32
    %c0_i32_0 = arith.constant 0 : i32
    return %arg0, %c0_i32 : i32, i32
  }
  func.func @transform_2(%arg0: i32) -> (i32, i32) {
    %c0_i32 = arith.constant 0 : i32
    %c0_i32_0 = arith.constant 0 : i32
    return %arg0, %c0_i32 : i32, i32
  }
  func.func @transform_3(%arg0: i32) -> (i32, i32) {
    %c0_i32 = arith.constant 0 : i32
    %c0_i32_0 = arith.constant 0 : i32
    %c0_i32_1 = arith.constant 0 : i32
    return %c0_i32, %c0_i32_0 : i32, i32
  }
  func.func @transform_4(%arg0: i32) -> i32 {
    %c0_i32 = arith.constant 0 : i32
    return %arg0 : i32
  }
  func.func @transform_5(%arg0: i32) -> (i32, i32) {
    %c0_i32 = arith.constant 0 : i32
    %c0_i32_0 = arith.constant 0 : i32
    return %arg0, %c0_i32 : i32, i32
  }
}

module attributes {stable_mosaic.version = 14 : i64} {
  func.func @_tc1a_body(%arg0: i32, %arg1: memref<128x1024xf32, #tpu.memory_space<vmem>>, %arg2: memref<128x1024xf32, #tpu.memory_space<vmem>>, %arg3: memref<128x256xf32, #tpu.memory_space<vmem>>, %arg4: memref<256x32xf32, #tpu.memory_space<vmem>>, %arg5: memref<128xi32, #tpu.memory_space<vmem>>, %arg6: memref<128x128xf32, #tpu.memory_space<vmem>>) attributes {dimension_semantics = [#tpu.dimension_semantics<parallel>], iteration_bounds = array<i64: 8>, scalar_prefetch = 0 : i64, scratch_operands = 0 : i64, tpu.core_type = #tpu.core_type<tc>, window_params = [{transform_indices = @transform_0, window_bounds = array<i64: 128, 1024>}, {transform_indices = @transform_1, window_bounds = array<i64: 128, 1024>}, {transform_indices = @transform_2, window_bounds = array<i64: 128, 256>}, {pipeline_mode = #tpu.pipeline_mode<synchronous>, transform_indices = @transform_3, window_bounds = array<i64: 256, 32>}, {transform_indices = @transform_4, window_bounds = array<i64: 128>}, {transform_indices = @transform_5, window_bounds = array<i64: 128, 128>}]} {
    %iota3A = tpu.iota {dimensions = array<i32: 1>} : vector<128x1024xi32>
    %get3A = arith.constant 0 : index
    %get3A_0 = arith.constant 0 : index
    %get3A_1 = vector.load %arg1[%get3A, %get3A_0] : memref<128x1024xf32, #tpu.memory_space<vmem>>, vector<128x1024xf32>
    %get3A_2 = arith.constant 0 : index
    %get3A_3 = arith.constant 0 : index
    %get3A_4 = vector.load %arg2[%get3A_2, %get3A_3] : memref<128x1024xf32, #tpu.memory_space<vmem>>, vector<128x1024xf32>
    %add3A = arith.addf %get3A_1, %get3A_4 : vector<128x1024xf32>
    %reduce_max3A = arith.constant dense<0xFF800000> : vector<128xf32>
    %reduce_max3A_5 = vector.multi_reduction <maximumf>, %add3A, %reduce_max3A [1] : vector<128x1024xf32> to vector<128xf32>
    %broadcast_in_dim3A = vector.shape_cast %reduce_max3A_5 : vector<128xf32> to vector<128x1xf32>
    %ge3A = vector.broadcast %broadcast_in_dim3A : vector<128x1xf32> to vector<128x1024xf32>
    %ge3A_6 = arith.cmpf oge, %add3A, %ge3A : vector<128x1024xf32>
    %jit3A = arith.constant 1024 : i32
    %broadcast_in_dim3A_7 = vector.broadcast %jit3A : i32 to vector<128x1024xi32>
    %select_n3A = arith.select %ge3A_6, %iota3A, %broadcast_in_dim3A_7 : vector<128x1024xi1>, vector<128x1024xi32>
    %reduce_min3A = arith.constant dense<2147483647> : vector<128xi32>
    %reduce_min3A_8 = vector.multi_reduction <minsi>, %select_n3A, %reduce_min3A [1] : vector<128x1024xi32> to vector<128xi32>
    %swap3A = arith.constant 0 : index
    %swap3A_9 = vector.load %arg5[%swap3A] : memref<128xi32, #tpu.memory_space<vmem>>, vector<128xi32>
    tpu.vector_store %arg5[%swap3A], %reduce_min3A_8 {strides = array<i32>} : memref<128xi32, #tpu.memory_space<vmem>>, vector<128xi32>,
    %get3A_10 = arith.constant 0 : index
    %get3A_11 = arith.constant 0 : index
    %get3A_12 = vector.load %arg3[%get3A_10, %get3A_11] : memref<128x256xf32, #tpu.memory_space<vmem>>, vector<128x256xf32>
    %get3A_13 = arith.constant 0 : index
    %get3A_14 = arith.constant 0 : index
    %get3A_15 = vector.load %arg4[%get3A_13, %get3A_14] : memref<256x32xf32, #tpu.memory_space<vmem>>, vector<256x32xf32>
    %dot_general3A = arith.constant dense<0.000000e+00> : vector<128x32xf32>
    %dot_general3A_16 = tpu.matmul %get3A_12, %get3A_15, %dot_general3A {dimension_numbers = #tpu.dot_dimension_numbers<[1], [0], [0], [1], [0, 0, 1, 1], [], []>, transpose_lhs_hint = false} : vector<128x256xf32>, vector<256x32xf32>, vector<128x32xf32> -> vector<128x32xf32>
    %swap3A_17 = arith.constant 0 : index
    %swap3A_18 = arith.constant 0 : index
    %swap3A_19 = vector.load %arg6[%swap3A_17, %swap3A_18] : memref<128x128xf32, #tpu.memory_space<vmem>>, vector<128x32xf32>
    tpu.vector_store %arg6[%swap3A_17, %swap3A_18], %dot_general3A_16 {strides = array<i32>} : memref<128x128xf32, #tpu.memory_space<vmem>>, vector<128x32xf32>,
    %broadcast_in_dim3A_20 = arith.constant 1.000000e+00 : f32
    %broadcast_in_dim3A_21 = vector.broadcast %broadcast_in_dim3A_20 : f32 to vector<128x16xf32>
    %swap3A_22 = arith.constant 0 : index
    %swap3A_23 = arith.constant 32 : index
    %swap3A_24 = vector.load %arg6[%swap3A_22, %swap3A_23] : memref<128x128xf32, #tpu.memory_space<vmem>>, vector<128x16xf32>
    tpu.vector_store %arg6[%swap3A_22, %swap3A_23], %broadcast_in_dim3A_21 {strides = array<i32>} : memref<128x128xf32, #tpu.memory_space<vmem>>, vector<128x16xf32>,
    %broadcast_in_dim3A_25 = arith.constant 0.000000e+00 : f32
    %broadcast_in_dim3A_26 = vector.broadcast %broadcast_in_dim3A_25 : f32 to vector<128x80xf32>
    %swap3A_27 = arith.constant 0 : index
    %swap3A_28 = arith.constant 48 : index
    %swap3A_29 = vector.load %arg6[%swap3A_27, %swap3A_28] : memref<128x128xf32, #tpu.memory_space<vmem>>, vector<128x80xf32>
    tpu.vector_store %arg6[%swap3A_27, %swap3A_28], %broadcast_in_dim3A_26 {strides = array<i32>} : memref<128x128xf32, #tpu.memory_space<vmem>>, vector<128x80xf32>,
    return
  }
  func.func @transform_0(%arg0: i32) -> (i32, i32) {
    %c0_i32 = arith.constant 0 : i32
    %c0_i32_0 = arith.constant 0 : i32
    return %arg0, %c0_i32 : i32, i32
  }
  func.func @transform_1(%arg0: i32) -> (i32, i32) {
    %c0_i32 = arith.constant 0 : i32
    %c0_i32_0 = arith.constant 0 : i32
    return %arg0, %c0_i32 : i32, i32
  }
  func.func @transform_2(%arg0: i32) -> (i32, i32) {
    %c0_i32 = arith.constant 0 : i32
    %c0_i32_0 = arith.constant 0 : i32
    return %arg0, %c0_i32 : i32, i32
  }
  func.func @transform_3(%arg0: i32) -> (i32, i32) {
    %c0_i32 = arith.constant 0 : i32
    %c0_i32_0 = arith.constant 0 : i32
    %c0_i32_1 = arith.constant 0 : i32
    return %c0_i32, %c0_i32_0 : i32, i32
  }
  func.func @transform_4(%arg0: i32) -> i32 {
    %c0_i32 = arith.constant 0 : i32
    return %arg0 : i32
  }
  func.func @transform_5(%arg0: i32) -> (i32, i32) {
    %c0_i32 = arith.constant 0 : i32
    %c0_i32_0 = arith.constant 0 : i32
    return %arg0, %c0_i32 : i32, i32
  }
}

module attributes {stable_mosaic.version = 14 : i64} {
  func.func @_tc2_body(%arg0: memref<2x1024x128xf32, #tpu.memory_space<vmem>>, %arg1: memref<1024x32xf32, #tpu.memory_space<vmem>>, %arg2: memref<1x32xf32, #tpu.memory_space<vmem>>, %arg3: memref<1024x32xf32, #tpu.memory_space<vmem>>, %arg4: memref<32x64xf32, #tpu.memory_space<vmem>>, %arg5: memref<32x64xf32, #tpu.memory_space<vmem>>, %arg6: memref<1024x128xf32, #tpu.memory_space<vmem>>, %arg7: memref<1024x64xf32, #tpu.memory_space<vmem>>) attributes {dimension_semantics = [], scalar_prefetch = 0 : i64, scratch_operands = 0 : i64, tpu.core_type = #tpu.core_type<tc>} {
    %get3A = arith.constant 0 : index
    %get3A_0 = arith.constant 0 : index
    %get3A_1 = arith.constant 0 : index
    %get3A_2 = vector.load %arg0[%get3A, %get3A_0, %get3A_1] : memref<2x1024x128xf32, #tpu.memory_space<vmem>>, vector<1x1024x128xf32>
    %get3A_3 = vector.shape_cast %get3A_2 : vector<1x1024x128xf32> to vector<1024x128xf32>
    %get3A_4 = arith.constant 1 : index
    %get3A_5 = arith.constant 0 : index
    %get3A_6 = arith.constant 0 : index
    %get3A_7 = vector.load %arg0[%get3A_4, %get3A_5, %get3A_6] : memref<2x1024x128xf32, #tpu.memory_space<vmem>>, vector<1x1024x128xf32>
    %get3A_8 = vector.shape_cast %get3A_7 : vector<1x1024x128xf32> to vector<1024x128xf32>
    %add3A = arith.addf %get3A_3, %get3A_8 : vector<1024x128xf32>
    %slice3A = vector.extract_strided_slice %add3A {offsets = [0, 0], sizes = [1024, 32], strides = [1, 1]} : vector<1024x128xf32> to vector<1024x32xf32>
    %slice3A_9 = vector.extract_strided_slice %add3A {offsets = [0, 32], sizes = [1024, 1], strides = [1, 1]} : vector<1024x128xf32> to vector<1024x1xf32>
    %max3A = arith.constant 1.000000e+00 : f32
    %max3A_10 = vector.broadcast %max3A : f32 to vector<1024x1xf32>
    %max3A_11 = arith.maximumf %slice3A_9, %max3A_10 : vector<1024x1xf32>
    %div3A = vector.broadcast %max3A_11 : vector<1024x1xf32> to vector<1024x32xf32>
    %div3A_12 = arith.divf %slice3A, %div3A : vector<1024x32xf32>
    %get3A_13 = arith.constant 0 : index
    %get3A_14 = arith.constant 0 : index
    %get3A_15 = vector.load %arg1[%get3A_13, %get3A_14] : memref<1024x32xf32, #tpu.memory_space<vmem>>, vector<1024x32xf32>
    %add3A_16 = arith.addf %div3A_12, %get3A_15 : vector<1024x32xf32>
    %get3A_17 = arith.constant 0 : index
    %get3A_18 = arith.constant 0 : index
    %get3A_19 = vector.load %arg2[%get3A_17, %get3A_18] : memref<1x32xf32, #tpu.memory_space<vmem>>, vector<1x32xf32>
    %add3A_20 = vector.broadcast %get3A_19 : vector<1x32xf32> to vector<1024x32xf32>
    %add3A_21 = arith.addf %add3A_16, %add3A_20 : vector<1024x32xf32>
    %max3A_22 = arith.constant 0.000000e+00 : f32
    %max3A_23 = vector.broadcast %max3A_22 : f32 to vector<1024x32xf32>
    %max3A_24 = arith.maximumf %add3A_21, %max3A_23 : vector<1024x32xf32>
    %get3A_25 = arith.constant 0 : index
    %get3A_26 = arith.constant 0 : index
    %get3A_27 = vector.load %arg3[%get3A_25, %get3A_26] : memref<1024x32xf32, #tpu.memory_space<vmem>>, vector<1024x32xf32>
    %mul3A = arith.mulf %max3A_24, %get3A_27 : vector<1024x32xf32>
    %get3A_28 = arith.constant 0 : index
    %get3A_29 = arith.constant 0 : index
    %get3A_30 = vector.load %arg4[%get3A_28, %get3A_29] : memref<32x64xf32, #tpu.memory_space<vmem>>, vector<32x64xf32>
    %dot_general3A = arith.constant dense<0.000000e+00> : vector<1024x64xf32>
    %dot_general3A_31 = tpu.matmul %mul3A, %get3A_30, %dot_general3A {dimension_numbers = #tpu.dot_dimension_numbers<[1], [0], [0], [1], [0, 0, 1, 1], [], []>, transpose_lhs_hint = false} : vector<1024x32xf32>, vector<32x64xf32>, vector<1024x64xf32> -> vector<1024x64xf32>
    %swap3A = arith.constant 0 : index
    %swap3A_32 = arith.constant 0 : index
    %swap3A_33 = vector.load %arg6[%swap3A, %swap3A_32] : memref<1024x128xf32, #tpu.memory_space<vmem>>, vector<1024x64xf32>
    tpu.vector_store %arg6[%swap3A, %swap3A_32], %dot_general3A_31 {strides = array<i32>} : memref<1024x128xf32, #tpu.memory_space<vmem>>, vector<1024x64xf32>,
    %broadcast_in_dim3A = arith.constant 1.000000e+00 : f32
    %broadcast_in_dim3A_34 = vector.broadcast %broadcast_in_dim3A : f32 to vector<1024x16xf32>
    %swap3A_35 = arith.constant 0 : index
    %swap3A_36 = arith.constant 64 : index
    %swap3A_37 = vector.load %arg6[%swap3A_35, %swap3A_36] : memref<1024x128xf32, #tpu.memory_space<vmem>>, vector<1024x16xf32>
    tpu.vector_store %arg6[%swap3A_35, %swap3A_36], %broadcast_in_dim3A_34 {strides = array<i32>} : memref<1024x128xf32, #tpu.memory_space<vmem>>, vector<1024x16xf32>,
    %broadcast_in_dim3A_38 = arith.constant 0.000000e+00 : f32
    %broadcast_in_dim3A_39 = vector.broadcast %broadcast_in_dim3A_38 : f32 to vector<1024x48xf32>
    %swap3A_40 = arith.constant 0 : index
    %swap3A_41 = arith.constant 80 : index
    %swap3A_42 = vector.load %arg6[%swap3A_40, %swap3A_41] : memref<1024x128xf32, #tpu.memory_space<vmem>>, vector<1024x48xf32>
    tpu.vector_store %arg6[%swap3A_40, %swap3A_41], %broadcast_in_dim3A_39 {strides = array<i32>} : memref<1024x128xf32, #tpu.memory_space<vmem>>, vector<1024x48xf32>,
    %get3A_43 = arith.constant 0 : index
    %get3A_44 = arith.constant 0 : index
    %get3A_45 = vector.load %arg5[%get3A_43, %get3A_44] : memref<32x64xf32, #tpu.memory_space<vmem>>, vector<32x64xf32>
    %dot_general3A_46 = arith.constant dense<0.000000e+00> : vector<1024x64xf32>
    %dot_general3A_47 = tpu.matmul %mul3A, %get3A_45, %dot_general3A_46 {dimension_numbers = #tpu.dot_dimension_numbers<[1], [0], [0], [1], [0, 0, 1, 1], [], []>, transpose_lhs_hint = false} : vector<1024x32xf32>, vector<32x64xf32>, vector<1024x64xf32> -> vector<1024x64xf32>
    %swap3A_48 = arith.constant 0 : index
    %swap3A_49 = arith.constant 0 : index
    %swap3A_50 = vector.load %arg7[%swap3A_48, %swap3A_49] : memref<1024x64xf32, #tpu.memory_space<vmem>>, vector<1024x64xf32>
    tpu.vector_store %arg7[%swap3A_48, %swap3A_49], %dot_general3A_47 {strides = array<i32>} : memref<1024x64xf32, #tpu.memory_space<vmem>>, vector<1024x64xf32>,
    return
  }
}

module attributes {stable_mosaic.version = 14 : i64} {
  func.func @_tc3_body(%arg0: memref<2x1024x128xf32, #tpu.memory_space<vmem>>, %arg1: memref<1024x64xf32, #tpu.memory_space<vmem>>, %arg2: memref<1x64xf32, #tpu.memory_space<vmem>>, %arg3: memref<1024x64xf32, #tpu.memory_space<vmem>>, %arg4: memref<1024x64xf32, #tpu.memory_space<vmem>>) attributes {dimension_semantics = [], scalar_prefetch = 0 : i64, scratch_operands = 0 : i64, tpu.core_type = #tpu.core_type<tc>} {
    %get3A = arith.constant 0 : index
    %get3A_0 = arith.constant 0 : index
    %get3A_1 = arith.constant 0 : index
    %get3A_2 = vector.load %arg0[%get3A, %get3A_0, %get3A_1] : memref<2x1024x128xf32, #tpu.memory_space<vmem>>, vector<1x1024x128xf32>
    %get3A_3 = vector.shape_cast %get3A_2 : vector<1x1024x128xf32> to vector<1024x128xf32>
    %get3A_4 = arith.constant 1 : index
    %get3A_5 = arith.constant 0 : index
    %get3A_6 = arith.constant 0 : index
    %get3A_7 = vector.load %arg0[%get3A_4, %get3A_5, %get3A_6] : memref<2x1024x128xf32, #tpu.memory_space<vmem>>, vector<1x1024x128xf32>
    %get3A_8 = vector.shape_cast %get3A_7 : vector<1x1024x128xf32> to vector<1024x128xf32>
    %add3A = arith.addf %get3A_3, %get3A_8 : vector<1024x128xf32>
    %slice3A = vector.extract_strided_slice %add3A {offsets = [0, 0], sizes = [1024, 64], strides = [1, 1]} : vector<1024x128xf32> to vector<1024x64xf32>
    %slice3A_9 = vector.extract_strided_slice %add3A {offsets = [0, 64], sizes = [1024, 1], strides = [1, 1]} : vector<1024x128xf32> to vector<1024x1xf32>
    %max3A = arith.constant 1.000000e+00 : f32
    %max3A_10 = vector.broadcast %max3A : f32 to vector<1024x1xf32>
    %max3A_11 = arith.maximumf %slice3A_9, %max3A_10 : vector<1024x1xf32>
    %div3A = vector.broadcast %max3A_11 : vector<1024x1xf32> to vector<1024x64xf32>
    %div3A_12 = arith.divf %slice3A, %div3A : vector<1024x64xf32>
    %get3A_13 = arith.constant 0 : index
    %get3A_14 = arith.constant 0 : index
    %get3A_15 = vector.load %arg1[%get3A_13, %get3A_14] : memref<1024x64xf32, #tpu.memory_space<vmem>>, vector<1024x64xf32>
    %add3A_16 = arith.addf %div3A_12, %get3A_15 : vector<1024x64xf32>
    %get3A_17 = arith.constant 0 : index
    %get3A_18 = arith.constant 0 : index
    %get3A_19 = vector.load %arg2[%get3A_17, %get3A_18] : memref<1x64xf32, #tpu.memory_space<vmem>>, vector<1x64xf32>
    %add3A_20 = vector.broadcast %get3A_19 : vector<1x64xf32> to vector<1024x64xf32>
    %add3A_21 = arith.addf %add3A_16, %add3A_20 : vector<1024x64xf32>
    %max3A_22 = arith.constant 0.000000e+00 : f32
    %max3A_23 = vector.broadcast %max3A_22 : f32 to vector<1024x64xf32>
    %max3A_24 = arith.maximumf %add3A_21, %max3A_23 : vector<1024x64xf32>
    %get3A_25 = arith.constant 0 : index
    %get3A_26 = arith.constant 0 : index
    %get3A_27 = vector.load %arg3[%get3A_25, %get3A_26] : memref<1024x64xf32, #tpu.memory_space<vmem>>, vector<1024x64xf32>
    %mul3A = arith.mulf %max3A_24, %get3A_27 : vector<1024x64xf32>
    %reduce_max3A = arith.constant dense<0xFF800000> : vector<1024xf32>
    %reduce_max3A_28 = vector.multi_reduction <maximumf>, %mul3A, %reduce_max3A [1] : vector<1024x64xf32> to vector<1024xf32>
    %broadcast_in_dim3A = vector.shape_cast %reduce_max3A_28 : vector<1024xf32> to vector<1024x1xf32>
    %sub3A = vector.broadcast %broadcast_in_dim3A : vector<1024x1xf32> to vector<1024x64xf32>
    %sub3A_29 = arith.subf %mul3A, %sub3A : vector<1024x64xf32>
    %exp3A = math.exp %sub3A_29 : vector<1024x64xf32>
    %reduce_sum3A = arith.constant dense<0.000000e+00> : vector<1024xf32>
    %reduce_sum3A_30 = vector.multi_reduction <add>, %exp3A, %reduce_sum3A [1] : vector<1024x64xf32> to vector<1024xf32>
    %broadcast_in_dim3A_31 = vector.shape_cast %reduce_sum3A_30 : vector<1024xf32> to vector<1024x1xf32>
    %log3A = math.log %broadcast_in_dim3A_31 : vector<1024x1xf32>
    %sub3A_32 = vector.broadcast %log3A : vector<1024x1xf32> to vector<1024x64xf32>
    %sub3A_33 = arith.subf %sub3A_29, %sub3A_32 : vector<1024x64xf32>
    %swap3A = arith.constant 0 : index
    %swap3A_34 = arith.constant 0 : index
    %swap3A_35 = vector.load %arg4[%swap3A, %swap3A_34] : memref<1024x64xf32, #tpu.memory_space<vmem>>, vector<1024x64xf32>
    tpu.vector_store %arg4[%swap3A, %swap3A_34], %sub3A_33 {strides = array<i32>} : memref<1024x64xf32, #tpu.memory_space<vmem>>, vector<1024x64xf32>,
    return
  }
}

</mosaic_0001>

<sc_bundles>
// kernel: kernel.11.cloned.1.call-start
scs
__scs_entry_jumppad:
0x0: {  	(pc) =	sbr.rel $0x88, $3  }
0x1: {  	(tag) =	ssettag $0x0;
	lr =	simm.s32 $0x1  }
0x2: {  	[smem:$0x3F97] =	sst lr;
	_ =	strace $0xD0000000  }
0x3: {  	_ = 	snop  }
0x4: {  	_ = 	snop  }
0x5: {  	_ = 	snop  }
0x6: {  	_ = 	snop  }
0x7: {  	_ = 	snop  }
__scs_overlays_trampoline_lowered:
0x8: {  	[smem:$0x3FA6] =	sst s0  }
0x9: {  	[smem:$0x3FA7] =	sst s1  }
0xa: {  	[smem:$0x3FA8] =	sst s2  }
0xb: {  	[smem:$0x3FA9] =	sst s3  }
0xc: {  	[smem:$0x3FAA] =	sst s4  }
0xd: {  	[smem:$0x3FAB] =	sst s5  }
0xe: {  	[smem:$0x3FAC] =	sst s6  }
0xf: {  	[smem:$0x3FAD] =	sst s7  }
0x10: {  	[smem:$0x3FAE] =	sst s8  }
0x11: {  	[smem:$0x3FAF] =	sst s9;
	s0 =	simm.s32 @!p0 $0x0  }
0x12: {  	s1 =	sld [smem:$0x3F95];
	s0 =	simm.s32 @p0 $0x1  }
0x13: {  	[smem:$0x3FB0] =	sst s0;
	s0 =	simm.s32 @!p1 $0x0  }
0x14: {  	s2 =	sld [smem:$0x3F94];
	s0 =	simm.s32 @p1 $0x1  }
0x15: {  	[smem:$0x3FB1] =	sst s0;
	s0 =	simm.s32 @!p2 $0x0  }
0x16: {  	s3 =	sld [smem:$0x3FDB];
	s0 =	simm.s32 @p2 $0x1  }
0x17: {  	s4 =	simm.s32 $0x1BF5;
	[smem:$0x3FB3] =	sst s0  }
0x18: {  	s0 =	sld [smem:$0x3F96];
	_ =	swait.ge [sflag:s4], $0x0  }
0x19: {  	s7 =	sld [smem:$0x3F97]  }
0x1a: {  	s8 =	sadd.s32 $0xFFFFE003, lr  }
0x1b: {  	s9 =	sadd.s32 $0xFFFFFEF7, lr;
	s5 =	simm.s32 $0xFFFFFFFF;
	p2 =	slt.u32 s8, $0xFFFFF086  }
0x1c: {  	p1 =	slt.u32 s9, $0xF7A;
	s5 =	simm.s32 @!p2 $0x0  }
0x1d: {  	s5 =	simm.s32 @p1 $0x1;
	p0 =	seq.s32 s7, s2  }
0x1e: {  	s7 =	smul.u32 @!p0 $0xF7A, s2;
	p2 =	seq.s32 @!p0 s5, $0x0  }
0x1f: {  	s9 =	smul.u32 $0xF7A, s1;
	s8 =	simm.s32 @!p0 $0x1BF5;
	p2 =	por !p2, p0  }
0x20: {  	[sflag:s8] =	ssyncset.s32 @!p0 $0xFFFFF086;
	s6 =	sadd.s32 @!p0 s3, s7;
	s7 =	simm.s32 @!p0 $0x108  }
0x21: {  	s3 =	sadd.s32 s3, s9;
	s6 =	sadd.s32 @!p0 $0x88, s6;
	s7 =	simm.s32 @p2 $0x1082  }
0x22: {  	[simem:s7], [sflag:s8] =	dma.local @!p0 [hbm:s6], $0xF7A  }
0x23: {  	s9 =	sor.u32 $0xD0000000, s2;
	s6 =	simm.s32 $0x108;
	_ =	swait.ge @!p0 [sflag:s8], $0x0  }
0x24: {  	s3 =	sadd.s32 $0x88, s3;
	s6 =	simm.s32 @!p1 $0x1082;
	[sflag:s4] =	ssyncset.s32 $0xFFFFF086  }
0x25: {  	[simem:s6], [sflag:s4] =	dma.local [hbm:s3], $0xF7A  }
0x26: {  	[smem:$0x3F97] =	sst s1;
	(tag) =	ssettag s2;
	_ =	strace s9  }
0x27: {  	s1 =	sld [smem:$0x3FA7]  }
0x28: {  	s2 =	sld [smem:$0x3FA8]  }
0x29: {  	s4 =	sld [smem:$0x3FAA]  }
0x2a: {  	p0 =	seq.s32 s5, $0x0;
	s5 =	sld [smem:$0x3FAB]  }
0x2b: {  	s6 =	sld [smem:$0x3FAC]  }
0x2c: {  	s7 =	sld [smem:$0x3FAD]  }
0x2d: {  	s3 =	simm.s32 $0x108;
	s8 =	sld [smem:$0x3FAE]  }
0x2e: {  	s3 =	simm.s32 @!p0 $0x1082;
	s9 =	sld [smem:$0x3FAF]  }
0x2f: {  	lr =	sadd.s32 s0, s3;
	s0 =	sld [smem:$0x3FA6]  }
0x30: {  	s3 =	sld [smem:$0x3FA9]  }
0x31: {  	[smem:$0x3FB2] =	sst s10  }
0x32: {  	s10 =	sld [smem:$0x3FB0];
	_ =	sdelay $0x3  }
0x33: {  	p0 =	seq.s32 s10, $0x1;
	s10 =	sld [smem:$0x3FB2];
	_ =	sdelay $0x3  }
0x34: {  	[smem:$0x3FB2] =	sst s10  }
0x35: {  	s10 =	sld [smem:$0x3FB1];
	_ =	sdelay $0x3  }
0x36: {  	p1 =	seq.s32 s10, $0x1;
	s10 =	sld [smem:$0x3FB2];
	_ =	sdelay $0x3  }
0x37: {  	[smem:$0x3FB2] =	sst s10  }
0x38: {  	s10 =	sld [smem:$0x3FB3]  }
0x39: {  	_ = 	snop;
	(pc) =	sbr.ind lr, $3  }
0x3a: {  	_ = 	snop  }
0x3b: {  	_ = 	snop  }
0x3c: {  	p2 =	seq.s32 s10, $0x1;
	s10 =	sld [smem:$0x3FB2]  }
0x3d: {  	_ =	shalt  }
0x3e: {  	_ =	shalt  }
0x3f: {  	_ =	shalt  }
0x40: {  	_ =	shalt  }
0x41: {  	_ =	shalt  }
0x42: {  	_ =	shalt  }
0x43: {  	_ =	shalt  }
0x44: {  	_ =	shalt  }
0x45: {  	_ =	shalt  }
0x46: {  	_ =	shalt  }
0x47: {  	_ =	shalt  }
0x48: {  	_ =	shalt  }
0x49: {  	_ =	shalt  }
0x4a: {  	_ =	shalt  }
0x4b: {  	_ =	shalt  }
0x4c: {  	_ =	shalt  }
0x4d: {  	_ =	shalt  }
0x4e: {  	_ =	shalt  }
0x4f: {  	_ =	shalt  }
0x50: {  	_ =	shalt  }
0x51: {  	_ =	shalt  }
0x52: {  	_ =	shalt  }
0x53: {  	_ =	shalt  }
0x54: {  	_ =	shalt  }
0x55: {  	_ =	shalt  }
0x56: {  	_ =	shalt  }
0x57: {  	_ =	shalt  }
0x58: {  	_ =	shalt  }
0x59: {  	_ =	shalt  }
0x5a: {  	_ =	shalt  }
0x5b: {  	_ =	shalt  }
0x5c: {  	_ =	shalt  }
0x5d: {  	_ =	shalt  }
0x5e: {  	_ =	shalt  }
0x5f: {  	_ =	shalt  }
0x60: {  	_ =	shalt  }
0x61: {  	_ =	shalt  }
0x62: {  	_ =	shalt  }
0x63: {  	_ =	shalt  }
0x64: {  	_ =	shalt  }
0x65: {  	_ =	shalt  }
0x66: {  	_ =	shalt  }
0x67: {  	_ =	shalt  }
0x68: {  	_ =	shalt  }
0x69: {  	_ =	shalt  }
0x6a: {  	_ =	shalt  }
0x6b: {  	_ =	shalt  }
0x6c: {  	_ =	shalt  }
0x6d: {  	_ =	shalt  }
0x6e: {  	_ =	shalt  }
0x6f: {  	_ =	shalt  }
0x70: {  	_ =	shalt  }
0x71: {  	_ =	shalt  }
0x72: {  	_ =	shalt  }
0x73: {  	_ =	shalt  }
0x74: {  	_ =	shalt  }
0x75: {  	_ =	shalt  }
0x76: {  	_ =	shalt  }
0x77: {  	_ =	shalt  }
0x78: {  	_ =	shalt  }
0x79: {  	_ =	shalt  }
0x7a: {  	_ =	shalt  }
0x7b: {  	_ =	shalt  }
0x7c: {  	_ =	shalt  }
0x7d: {  	_ =	shalt  }
0x7e: {  	_ =	shalt  }
0x7f: {  	_ =	shalt  }
0x80: {  	_ =	shalt  }
0x81: {  	_ =	shalt  }
0x82: {  	_ =	shalt  }
0x83: {  	_ =	shalt  }
0x84: {  	_ =	shalt  }
0x85: {  	_ =	shalt  }
0x86: {  	_ =	shalt  }
0x87: {  	_ =	shalt  }
.Lfunc_end0:
.L_simem_size_0:
called_computation.1_lowered:
.L_overlay_start_0:
0x88: {  	s2 =	sld [smem:$0x3FD9]  }
0x89: {  	s3 =	sld [smem:$0x3FFE];
	_ =	sdelay $0x1  }
0x8a: {  	s1 =	srdreg.scid  }
0x8b: {  	s0 =	sand.u32 $0x1, s1  }
0x8c: {  	s17 =	sshll.u32 s0, $0xA;
	s2 =	sadd.s32 s3, s2  }
0x8d: {  	s2 =	sadd.s32 s2, s17  }
0x8e: {  	[smem:$0x3FBE] =	sst s2  }
0x8f: {  	_ = 	snop  }
0x90: {  	s2 =	sld [smem:$0x3FD0];
	(tm) =	ssettm $0x1  }
0x91: {  	s18 =	sld [smem:$0x3FFB];
	_ =	sdelay $0x3  }
0x92: {  	_ =	strace s18  }
0x93: {  	s3 =	sld [smem:$0x3FFC];
	_ =	sdelay $0x3  }
0x94: {  	_ =	strace s3  }
0x95: {  	s3 =	sld [smem:$0x3FFD];
	_ =	sdelay $0x3  }
0x96: {  	_ =	strace s3  }
0x97: {  	_ =	strace $0x8FFFFFFF  }
0x98: {  	s19 =	sld [smem:$0x3FDB];
	_ =	sdelay $0x1  }
0x99: {  	s4 =	simm.s32 $_scs_section_size  }
0x9a: {  	s5 =	simm.s32 $_size__tile_overlayer_lowered;
	s6 =	simm.s32 $_tile_overlayer_lowered  }
0x9b: {  	s22 =	simm.s32 $0x1BFF;
	s21 =	sshll.u32 s6, $0x1;
	s3 =	sadd.s32 s4, s19  }
0x9c: {  	s7 =	simm.s32 $0x0;
	s20 =	sshll.u32 s5, $0x1;
	s5 =	sadd.s32 s21, s3  }
0x9d: {  	[timem:s7], [sflag:s22] =	dma.local [hbm:s5], s20  }
0x9e: {  	_ =	swait.ge [sflag:s22], s20  }
0x9f: {  	s4 =	ssub.s32 $0x0, s20;
	[sflag:s22] =	ssyncset.done $0x0  }
0xa0: {  	[sflag:s22] =	ssyncadd.s32 s4;
	_ =	sdelay $0x1  }
0xa1: {  	s23 =	simm.s32 $0x1B8B  }
0xa2: {  	_ =	swait.ge [sflag:s23], $0x1  }
0xa3: {  	[sflag:s23] =	ssyncset.done $0x0  }
0xa4: {  	s25 =	simm.s32 $0x1B8E;
	s24 =	sld [smem:$0x3FFE];
	[sflag:s23] =	ssyncadd.s32 $0xFFFFFFFF  }
0xa5: {  	s26 =	simm.s32 $execute0_lowered;
	[smem:$0x3FD2] =	sst s25  }
0xa6: {  	s5 =	sshll.u32 s26, $0x1;
	_ =	strace $0x80000049;
	[dreg:$0x1] =	wrdreg $0xFFFFFFFF  }
0xa7: {  	s28 =	simm.s32 $_size_execute0_lowered;
	s3 =	sadd.s32 s3, s5;
	[dreg:$0x0] =	wrdreg $0x0  }
0xa8: {  	s5 =	sshll.u32 s28, $0x1;
	[dreg:$0x2] =	wrdreg s3  }
0xa9: {  	[dreg:$0x3] =	wrdreg s5  }
0xaa: {  	[dreg:$0x4] =	wrdreg $0xC0  }
0xab: {  	_ =	task [dreg:s7], $0x5FFFF  }
0xac: {  	[dreg:$0x1] =	wrdreg $0xFFFFFFFF  }
0xad: {  	[dreg:$0x0] =	wrdreg $0x60  }
0xae: {  	[dreg:$0x2] =	wrdreg s24  }
0xaf: {  	[dreg:$0x3] =	wrdreg s2  }
0xb0: {  	[dreg:$0x4] =	wrdreg $0x8C000  }
0xb1: {  	[dreg:$0x5] =	wrdreg $0x9  }
0xb2: {  	_ =	task.clear_ibuf [dreg:s7], $0x6FFFF;
	_ =	strace $0x90000049  }
0xb3: {  	s29 =	simm.s32 $0x9;
	_ =	strace $0x8000004B  }
0xb4: {  	_ =	swait.ge [sflag:s29], $0x1  }
0xb5: {  	[sflag:s29] =	ssyncadd.s32 $0xFFFFFFFF  }
0xb6: {  	_ =	strace $0x9000004B  }
0xb7: {  	_ =	sfence  }
0xb8: {  	s30 =	sld [smem:$0x0];
	_ =	sdelay $0x2  }
0xb9: {  	s31 =	sshll.u32 s1, $0xD;
	s1 =	sshrl.u32 s1, $0x2  }
0xba: {  	s3 =	sand.u32 $0x4000, s31;
	s1 =	sadd.s32 s1, s30  }
0xbb: {  	s0 =	sor.u32 s3, s0;
	s1 =	sshll.u32 s1, $0x11  }
0xbc: {  	s0 =	sor.u32 s1, s0  }
0xbd: {  	s0 =	sadd.s32 $0x8F2B, s0  }
0xbe: {  	[sflag:s0] =	ssyncadd.remote.s32 $0x1  }
0xbf: {  	_ =	sfence.sel $0xFFFF  }
0xc0: {  	[dreg:$0x0] =	wrdreg $0xFFFFFFFF;
	(pc) =	sbr.abs _section_cstart, $3  }
0xc1: {  	[dreg:$0x1] =	wrdreg $0xFFFFFFFF  }
0xc2: {  	_ =	task.clear_ibuf [dreg:s7], $0x2FFFF;
	_ =	strace $0x9FFFFFFF  }
0xc3: {  	(tm) =	ssettm $0x7FFFFFFF  }
tec
execute0_lowered:
.L_overlay_start_1:
0x0: {  	(tag) =	ssettag $0x1  }
0x1: {  	s0 =	rddreg [dreg:$0x0]  }
0x2: {  	s7 =	rddreg [dreg:$0x1]  }
0x3: {  	s1 =	rddreg [dreg:$0x2];
	s3 =	simm.s32 $0x0;
	s4 =	srdreg.scid  }
0x4: {  	s2 =	stileid.u32;
	s13 =	simm.s32 $0x400;
	s14 =	simm.s32 $0x600  }
0x5: {  	s15 =	simm.s32 $0xC00;
	s16 =	simm.s32 $0x80;
	s17 =	simm.s32 $0x800  }
0x6: {  	s18 =	simm.s32 $0x1;
	s19 =	simm.s32 $0x880;
	s20 =	simm.s32 $0x4C00  }
0x7: {  	s21 =	simm.s32 $0xA00;
	s22 =	simm.s32 $0x2;
	s23 =	simm.s32 $0x900  }
0x8: {  	s24 =	simm.s32 $0xA80;
	s25 =	simm.s32 $0x980;
	s26 =	simm.s32 $0xB00  }
0x9: {  	s28 =	simm.s32 $0xB80;
	s29 =	simm.s32 $0x0;
	[smem:$0x7FF] =	sst s3  }
0xa: {  	s6 =	sand.u32 $0x1, s4;
	s9 =	sshll.u32 s2, $0xD;
	s4 =	sadd.s32 $0x3400, s0  }
0xb: {  	s5 =	sadd.s32 $0xF600, s0;
	_ =	strace $0x8000004A;
	s8 =	sshll.u32 s6, $0x11  }
0xc: {  	s10 =	ssub.s32 $0x2, s6;
	s11 =	sshll.u32 s6, $0xA;
	s6 =	sshll.u32 s2, $0x6  }
0xd: {  	s8 =	sor.u32 s9, s8;
	s12 =	sshrl.u32 s10, $0x1;
	s11 =	sor.u32 s6, s11  }
0xe: {  	s9 =	sadd.s32 s9, s1;
	s8 =	sshrl.u32 s8, $0x3;
	s7 =	sadd.s32 s7, s11  }
0xf: {  	s12 =	ssub.s32 s10, s12;
	s0 =	sadd.s32 s8, s0;
	s8 =	sadd.s32 $0x800, s7  }
0x10: {  	v0 =	vimm.f32 $0.0e+00;
	s11 =	smax.u32 s12, $0x1;
	s12 =	simm.s32 $0x3;
	s10 =	sadd.s32 $0x7400, s0  }
.LBB2_1:
0x11: {  	[tilespmem:s3], [sflag:$0x3] =	stream.linear.gather [hbm4b:s5+s3], $0x400, $0x38;
	[tilespmem:$0xAC00] =	vst v63  }
0x12: {  	_ =	swait.ge [sflag:s12], $0x400  }
0x13: {  	[sflag:s12] =	ssyncset.done $0x0  }
0x14: {  	[sflag:s12] =	ssyncadd.s32 $0xFFFFFC00  }
0x15: {  	[tilespmem:s13], [sflag:$0x3] =	stream.linear.gather [hbm4b:s7+s3], $0x200, $0x38;
	[tilespmem:$0xAC00] =	vst v63  }
0x16: {  	_ =	swait.ge [sflag:s12], $0x200  }
0x17: {  	[sflag:s12] =	ssyncset.done $0x0  }
0x18: {  	[sflag:s12] =	ssyncadd.s32 $0xFFFFFE00  }
0x19: {  	[tilespmem:s14], [sflag:$0x3] =	stream.linear.gather [hbm4b:s8+s3], $0x200, $0x38;
	[tilespmem:$0xAC00] =	vst v63  }
0x1a: {  	_ =	swait.ge [sflag:s12], $0x200  }
0x1b: {  	[sflag:s12] =	ssyncset.done $0x0  }
0x1c: {  	s30 =	simm.s32 $0x0;
	s0 =	simm.s32 $0x200;
	[sflag:s12] =	ssyncadd.s32 $0xFFFFFE00  }
.LBB2_2:
0x1d: {  	p0 =	sne.s32 s0, $0x7E00;
	[tilespmem:s30+$0xC70] =	vst v0  }
0x1e: {  	[tilespmem:s30+$0xC00] =	vst v0  }
0x1f: {  	[tilespmem:s30+$0xC10] =	vst v0  }
.Ltmp0:
0x20: {  	[tilespmem:s30+$0xC20] =	vst v0;
	(pc) =	sbr.rel @p0 .LBB2_2-.Ltmp0, $4  }
0x21: {  	[tilespmem:s30+$0xC30] =	vst v0  }
0x22: {  	[tilespmem:s30+$0xC40] =	vst v0  }
0x23: {  	[tilespmem:s30+$0xC50] =	vst v0  }
0x24: {  	[tilespmem:s30+$0xC60] =	vst v0;
	s30 =	sshra.s32 s0, $0x2;
	s0 =	sadd.s32 $0x200, s0  }
0x25: {  	[tilespmem:s30+$0xC70] =	vst v0  }
0x26: {  	[tilespmem:s30+$0xC00] =	vst v0  }
0x27: {  	[tilespmem:s30+$0xC10] =	vst v0  }
0x28: {  	[tilespmem:s30+$0xC20] =	vst v0  }
0x29: {  	[tilespmem:s30+$0xC30] =	vst v0  }
0x2a: {  	[tilespmem:s30+$0xC40] =	vst v0  }
0x2b: {  	[tilespmem:s30+$0xC50] =	vst v0  }
0x2c: {  	[tilespmem:s30+$0xC60] =	vst v0  }
0x2d: {  	[spmem:s9] =	stream.linear.scatter [tilespmem:s15], [sflag:$0x3], $0x2000, $0x38;
	[tilespmem:$0xAC00] =	vst v63  }
0x2e: {  	_ =	swait.ge [sflag:s12], $0x2000  }
0x2f: {  	[sflag:s12] =	ssyncset.done $0x0  }
0x30: {  	[sflag:s12] =	ssyncadd.s32 $0xFFFFE000  }
0x31: {  	s31 =	simm.s32 $0x0;
	[bflag:$0x0] =	sbarrier.arrive $0xFFFF  }
0x32: {  	v3 =	vld [tilespmem:s31+$0x400]  }
0x33: {  	v4 =	vld [tilespmem:s31+$0x600];
	_ =	sdelay $0x3  }
0x34: {  	s30 =	simm.s32 $0x10  }
0x35: {  	v2 =	vld [tilespmem:s30+$0x600]  }
0x36: {  	v1 =	vld [tilespmem:s30+$0x400]  }
0x37: {  	v3 =	vld.idx.msk [tilespmem:v3+s3+$0x0], $0xffff  }
0x38: {  	v4 =	vld.idx.msk [tilespmem:v4+s3+$0x0], $0xffff  }
0x39: {  	s0 =	simm.s32 $0x80  }
.LBB2_4:
0x3a: {  	p0 =	sne.s32 s0, $0x7C0;
	v5 =	vmov v2;
	s2 =	smov.u32 s0;
	s0 =	sadd.s32 $0x40, s0  }
0x3b: {  	s2 =	sshra.s32 s2, $0x2  }
0x3c: {  	v6 =	vld [tilespmem:s2+$0x400];
	[tilespmem:s31+$0x800] =	vst v3  }
.Ltmp1:
0x3d: {  	v2 =	vld [tilespmem:s2+$0x600];
	[tilespmem:s31+$0xA00] =	vst v4;
	s31 =	smov.u32 s30;
	s30 =	smov.u32 s2;
	(pc) =	sbr.rel @p0 .LBB2_4-.Ltmp1, $3  }
0x3e: {  	v3 =	vld.idx.msk [tilespmem:v1+s3+$0x0], $0xffff  }
0x3f: {  	v4 =	vld.idx.msk [tilespmem:v5+s3+$0x0], $0xffff;
	_ =	sdelay $0x1  }
0x40: {  	v1 =	vmov v6  }
0x41: {  	_ =	sdelay $0x1  }
0x42: {  	[tilespmem:s31+$0x800] =	vst v3  }
0x43: {  	[tilespmem:s31+$0xA00] =	vst v4  }
0x44: {  	v1 =	vld.idx.msk [tilespmem:v1+s3+$0x0], $0xffff  }
0x45: {  	v2 =	vld.idx.msk [tilespmem:v2+s3+$0x0], $0xffff;
	_ =	sdelay $0x3  }
0x46: {  	[tilespmem:s30+$0x800] =	vst v1  }
0x47: {  	[tilespmem:s30+$0xA00] =	vst v2  }
0x48: {  	[tilespmem:s15], [sflag:$0x1] =	stream.indirect.gather [hbm4b:s4+s16], $0x80, s17, s16, $0xb8;
	[tilespmem:$0xAC00] =	vst v63  }
0x49: {  	_ =	swait.ge [sflag:s18], $0x4000  }
0x4a: {  	[sflag:s18] =	ssyncset.done $0x0  }
0x4b: {  	[sflag:s18] =	ssyncadd.s32 $0xFFFFC000  }
0x4c: {  	[tilespmem:s20], [sflag:$0x2] =	stream.indirect.gather [hbm4b:s4+s16], $0x80, s19, s16, $0xb8;
	[tilespmem:$0xAC00] =	vst v63  }
0x4d: {  	_ = 	snop  }
0x4e: {  	[spmem:s1] =	stream.indirect.scatter.add.f32 [tilespmem:s15], [sflag:$0x3], $0x80, s21, s16, $0xb8;
	[tilespmem:$0xAC00] =	vst v63  }
0x4f: {  	_ =	swait.ge [sflag:s12], $0x4000  }
0x50: {  	[sflag:s12] =	ssyncset.done $0x0  }
0x51: {  	[sflag:s12] =	ssyncadd.s32 $0xFFFFC000  }
0x52: {  	_ =	swait.ge [sflag:s22], $0x4000  }
0x53: {  	[sflag:s22] =	ssyncset.done $0x0  }
0x54: {  	[sflag:s22] =	ssyncadd.s32 $0xFFFFC000  }
0x55: {  	[tilespmem:s15], [sflag:$0x1] =	stream.indirect.gather [hbm4b:s4+s16], $0x80, s23, s16, $0xb8;
	[tilespmem:$0xAC00] =	vst v63  }
0x56: {  	_ = 	snop  }
0x57: {  	[spmem:s1] =	stream.indirect.scatter.add.f32 [tilespmem:s20], [sflag:$0x3], $0x80, s24, s16, $0xb8;
	[tilespmem:$0xAC00] =	vst v63  }
0x58: {  	_ =	swait.ge [sflag:s12], $0x4000  }
0x59: {  	[sflag:s12] =	ssyncset.done $0x0  }
0x5a: {  	[sflag:s12] =	ssyncadd.s32 $0xFFFFC000  }
0x5b: {  	_ =	swait.ge [sflag:s18], $0x4000  }
0x5c: {  	[sflag:s18] =	ssyncset.done $0x0  }
0x5d: {  	[sflag:s18] =	ssyncadd.s32 $0xFFFFC000  }
0x5e: {  	[tilespmem:s20], [sflag:$0x2] =	stream.indirect.gather [hbm4b:s4+s16], $0x80, s25, s16, $0xb8;
	[tilespmem:$0xAC00] =	vst v63  }
0x5f: {  	_ = 	snop  }
0x60: {  	[spmem:s1] =	stream.indirect.scatter.add.f32 [tilespmem:s15], [sflag:$0x3], $0x80, s26, s16, $0xb8;
	[tilespmem:$0xAC00] =	vst v63  }
0x61: {  	_ =	swait.ge [sflag:s12], $0x4000  }
0x62: {  	[sflag:s12] =	ssyncset.done $0x0  }
0x63: {  	[sflag:s12] =	ssyncadd.s32 $0xFFFFC000  }
0x64: {  	_ =	swait.ge [sflag:s22], $0x4000  }
0x65: {  	[sflag:s22] =	ssyncset.done $0x0  }
0x66: {  	[sflag:s22] =	ssyncadd.s32 $0xFFFFC000  }
0x67: {  	[spmem:s1] =	stream.indirect.scatter.add.f32 [tilespmem:s20], [sflag:$0x3], $0x80, s28, s16, $0xb8;
	[tilespmem:$0xAC00] =	vst v63  }
0x68: {  	_ =	swait.ge [sflag:s12], $0x4000  }
0x69: {  	s29 =	sadd.s32 $0x1, s29;
	[sflag:s12] =	ssyncset.done $0x0  }
0x6a: {  	s0 =	sor.u32 $0x1C03, s6;
	p0 =	sne.s32 s29, s11;
	[sflag:s12] =	ssyncadd.s32 $0xFFFFC000  }
.Ltmp2:
0x6b: {  	s2 =	sshrl.u32 s9, $0x3;
	[bflag:$0x0] =	sbarrier.arrive $0xFFFF;
	(pc) =	sbr.rel @p0 .LBB2_1-.Ltmp2, $4  }
0x6c: {  	[hbm:s10], [sflag:s0] =	dma.local [spmem:s2], $0x400  }
0x6d: {  	_ =	swait.ge [sflag:s12], $0x400  }
0x6e: {  	[sflag:s12] =	ssyncset.done $0x0  }
0x6f: {  	[sflag:s12] =	ssyncadd.s32 $0xFFFFFC00  }
0x70: {  	_ =	sfence.sel $0x180000  }
0x71: {  	[bflag:$0x0] =	sbarrier.arrive $0xFFFF  }
0x72: {  	_ =	strace $0x9000004A  }
0x73: {  	s0 =	stileid.u32;
	[bflag:$0x2] =	sbarrier.arrive $0xFFFF  }
0x74: {  	p0 =	sne.s32 s0, $0x0;
	s0 =	rddreg [dreg:$0x3]  }
0x75: {  	s0 =	sadd.s32 @!p0 $0x100000, s0  }
0x76: {  	[sflag:s0] =	ssyncadd.tile.s32 @!p0 $0x1;
	_ =	shalt  }
.Lfunc_end2:
_tile_overlayer_lowered:
.L_overlay_start_2:
0x77: {  	(tag) =	ssettag $0x2  }
0x78: {  	s0 =	rddreg [dreg:$0x0];
	s2 =	stileid.u32  }
0x79: {  	s1 =	rddreg [dreg:$0x1];
	p0 =	sne.s32 s2, $0x0  }
0x7a: {  	s3 =	rddreg [dreg:$0x2];
	[bflag:$0x3] =	sbarrier.arrive $0xFFFF;
	s2 =	simm.s32 @!p0 $0x1C03  }
0x7b: {  	[timem:s3], [sflag:s2] =	dma.local @!p0 [hbm:s0], s1  }
0x7c: {  	s0 =	simm.s32 @!p0 $0x3  }
0x7d: {  	_ =	swait.ge @!p0 [sflag:s0], s1  }
0x7e: {  	s1 =	ssub.s32 @!p0 $0x0, s1;
	[sflag:s0] =	ssyncset.done @!p0 $0x0  }
0x7f: {  	[sflag:s0] =	ssyncadd.s32 @!p0 s1  }
0x80: {  	[bflag:$0x3] =	sbarrier.arrive $0xFFFF  }
0x81: {  	_ =	shalt  }

// kernel: kernel.8.cloned.1.call-start
scs
__scs_entry_jumppad:
0x0: {  	(pc) =	sbr.rel $0x88, $3  }
0x1: {  	(tag) =	ssettag $0x0;
	lr =	simm.s32 $0x1  }
0x2: {  	[smem:$0x3F97] =	sst lr;
	_ =	strace $0xD0000000  }
0x3: {  	_ = 	snop  }
0x4: {  	_ = 	snop  }
0x5: {  	_ = 	snop  }
0x6: {  	_ = 	snop  }
0x7: {  	_ = 	snop  }
__scs_overlays_trampoline_lowered:
0x8: {  	[smem:$0x3FA6] =	sst s0  }
0x9: {  	[smem:$0x3FA7] =	sst s1  }
0xa: {  	[smem:$0x3FA8] =	sst s2  }
0xb: {  	[smem:$0x3FA9] =	sst s3  }
0xc: {  	[smem:$0x3FAA] =	sst s4  }
0xd: {  	[smem:$0x3FAB] =	sst s5  }
0xe: {  	[smem:$0x3FAC] =	sst s6  }
0xf: {  	[smem:$0x3FAD] =	sst s7  }
0x10: {  	[smem:$0x3FAE] =	sst s8  }
0x11: {  	[smem:$0x3FAF] =	sst s9;
	s0 =	simm.s32 @!p0 $0x0  }
0x12: {  	s1 =	sld [smem:$0x3F95];
	s0 =	simm.s32 @p0 $0x1  }
0x13: {  	[smem:$0x3FB0] =	sst s0;
	s0 =	simm.s32 @!p1 $0x0  }
0x14: {  	s2 =	sld [smem:$0x3F94];
	s0 =	simm.s32 @p1 $0x1  }
0x15: {  	[smem:$0x3FB1] =	sst s0;
	s0 =	simm.s32 @!p2 $0x0  }
0x16: {  	s3 =	sld [smem:$0x3FDB];
	s0 =	simm.s32 @p2 $0x1  }
0x17: {  	s4 =	simm.s32 $0x1BF5;
	[smem:$0x3FB3] =	sst s0  }
0x18: {  	s0 =	sld [smem:$0x3F96];
	_ =	swait.ge [sflag:s4], $0x0  }
0x19: {  	s7 =	sld [smem:$0x3F97]  }
0x1a: {  	s8 =	sadd.s32 $0xFFFFE003, lr  }
0x1b: {  	s9 =	sadd.s32 $0xFFFFFEF7, lr;
	s5 =	simm.s32 $0xFFFFFFFF;
	p2 =	slt.u32 s8, $0xFFFFF086  }
0x1c: {  	p1 =	slt.u32 s9, $0xF7A;
	s5 =	simm.s32 @!p2 $0x0  }
0x1d: {  	s5 =	simm.s32 @p1 $0x1;
	p0 =	seq.s32 s7, s2  }
0x1e: {  	s7 =	smul.u32 @!p0 $0xF7A, s2;
	p2 =	seq.s32 @!p0 s5, $0x0  }
0x1f: {  	s9 =	smul.u32 $0xF7A, s1;
	s8 =	simm.s32 @!p0 $0x1BF5;
	p2 =	por !p2, p0  }
0x20: {  	[sflag:s8] =	ssyncset.s32 @!p0 $0xFFFFF086;
	s6 =	sadd.s32 @!p0 s3, s7;
	s7 =	simm.s32 @!p0 $0x108  }
0x21: {  	s3 =	sadd.s32 s3, s9;
	s6 =	sadd.s32 @!p0 $0x88, s6;
	s7 =	simm.s32 @p2 $0x1082  }
0x22: {  	[simem:s7], [sflag:s8] =	dma.local @!p0 [hbm:s6], $0xF7A  }
0x23: {  	s9 =	sor.u32 $0xD0000000, s2;
	s6 =	simm.s32 $0x108;
	_ =	swait.ge @!p0 [sflag:s8], $0x0  }
0x24: {  	s3 =	sadd.s32 $0x88, s3;
	s6 =	simm.s32 @!p1 $0x1082;
	[sflag:s4] =	ssyncset.s32 $0xFFFFF086  }
0x25: {  	[simem:s6], [sflag:s4] =	dma.local [hbm:s3], $0xF7A  }
0x26: {  	[smem:$0x3F97] =	sst s1;
	(tag) =	ssettag s2;
	_ =	strace s9  }
0x27: {  	s1 =	sld [smem:$0x3FA7]  }
0x28: {  	s2 =	sld [smem:$0x3FA8]  }
0x29: {  	s4 =	sld [smem:$0x3FAA]  }
0x2a: {  	p0 =	seq.s32 s5, $0x0;
	s5 =	sld [smem:$0x3FAB]  }
0x2b: {  	s6 =	sld [smem:$0x3FAC]  }
0x2c: {  	s7 =	sld [smem:$0x3FAD]  }
0x2d: {  	s3 =	simm.s32 $0x108;
	s8 =	sld [smem:$0x3FAE]  }
0x2e: {  	s3 =	simm.s32 @!p0 $0x1082;
	s9 =	sld [smem:$0x3FAF]  }
0x2f: {  	lr =	sadd.s32 s0, s3;
	s0 =	sld [smem:$0x3FA6]  }
0x30: {  	s3 =	sld [smem:$0x3FA9]  }
0x31: {  	[smem:$0x3FB2] =	sst s10  }
0x32: {  	s10 =	sld [smem:$0x3FB0];
	_ =	sdelay $0x3  }
0x33: {  	p0 =	seq.s32 s10, $0x1;
	s10 =	sld [smem:$0x3FB2];
	_ =	sdelay $0x3  }
0x34: {  	[smem:$0x3FB2] =	sst s10  }
0x35: {  	s10 =	sld [smem:$0x3FB1];
	_ =	sdelay $0x3  }
0x36: {  	p1 =	seq.s32 s10, $0x1;
	s10 =	sld [smem:$0x3FB2];
	_ =	sdelay $0x3  }
0x37: {  	[smem:$0x3FB2] =	sst s10  }
0x38: {  	s10 =	sld [smem:$0x3FB3]  }
0x39: {  	_ = 	snop;
	(pc) =	sbr.ind lr, $3  }
0x3a: {  	_ = 	snop  }
0x3b: {  	_ = 	snop  }
0x3c: {  	p2 =	seq.s32 s10, $0x1;
	s10 =	sld [smem:$0x3FB2]  }
0x3d: {  	_ =	shalt  }
0x3e: {  	_ =	shalt  }
0x3f: {  	_ =	shalt  }
0x40: {  	_ =	shalt  }
0x41: {  	_ =	shalt  }
0x42: {  	_ =	shalt  }
0x43: {  	_ =	shalt  }
0x44: {  	_ =	shalt  }
0x45: {  	_ =	shalt  }
0x46: {  	_ =	shalt  }
0x47: {  	_ =	shalt  }
0x48: {  	_ =	shalt  }
0x49: {  	_ =	shalt  }
0x4a: {  	_ =	shalt  }
0x4b: {  	_ =	shalt  }
0x4c: {  	_ =	shalt  }
0x4d: {  	_ =	shalt  }
0x4e: {  	_ =	shalt  }
0x4f: {  	_ =	shalt  }
0x50: {  	_ =	shalt  }
0x51: {  	_ =	shalt  }
0x52: {  	_ =	shalt  }
0x53: {  	_ =	shalt  }
0x54: {  	_ =	shalt  }
0x55: {  	_ =	shalt  }
0x56: {  	_ =	shalt  }
0x57: {  	_ =	shalt  }
0x58: {  	_ =	shalt  }
0x59: {  	_ =	shalt  }
0x5a: {  	_ =	shalt  }
0x5b: {  	_ =	shalt  }
0x5c: {  	_ =	shalt  }
0x5d: {  	_ =	shalt  }
0x5e: {  	_ =	shalt  }
0x5f: {  	_ =	shalt  }
0x60: {  	_ =	shalt  }
0x61: {  	_ =	shalt  }
0x62: {  	_ =	shalt  }
0x63: {  	_ =	shalt  }
0x64: {  	_ =	shalt  }
0x65: {  	_ =	shalt  }
0x66: {  	_ =	shalt  }
0x67: {  	_ =	shalt  }
0x68: {  	_ =	shalt  }
0x69: {  	_ =	shalt  }
0x6a: {  	_ =	shalt  }
0x6b: {  	_ =	shalt  }
0x6c: {  	_ =	shalt  }
0x6d: {  	_ =	shalt  }
0x6e: {  	_ =	shalt  }
0x6f: {  	_ =	shalt  }
0x70: {  	_ =	shalt  }
0x71: {  	_ =	shalt  }
0x72: {  	_ =	shalt  }
0x73: {  	_ =	shalt  }
0x74: {  	_ =	shalt  }
0x75: {  	_ =	shalt  }
0x76: {  	_ =	shalt  }
0x77: {  	_ =	shalt  }
0x78: {  	_ =	shalt  }
0x79: {  	_ =	shalt  }
0x7a: {  	_ =	shalt  }
0x7b: {  	_ =	shalt  }
0x7c: {  	_ =	shalt  }
0x7d: {  	_ =	shalt  }
0x7e: {  	_ =	shalt  }
0x7f: {  	_ =	shalt  }
0x80: {  	_ =	shalt  }
0x81: {  	_ =	shalt  }
0x82: {  	_ =	shalt  }
0x83: {  	_ =	shalt  }
0x84: {  	_ =	shalt  }
0x85: {  	_ =	shalt  }
0x86: {  	_ =	shalt  }
0x87: {  	_ =	shalt  }
.Lfunc_end0:
.L_simem_size_0:
called_computation_lowered:
.L_overlay_start_0:
0x88: {  	s2 =	sld [smem:$0x3FD9]  }
0x89: {  	s3 =	sld [smem:$0x3FFE];
	_ =	sdelay $0x1  }
0x8a: {  	s1 =	srdreg.scid  }
0x8b: {  	s0 =	sand.u32 $0x1, s1  }
0x8c: {  	s17 =	sshll.u32 s0, $0xA;
	s2 =	sadd.s32 s3, s2  }
0x8d: {  	s2 =	sadd.s32 s2, s17  }
0x8e: {  	[smem:$0x3FBE] =	sst s2  }
0x8f: {  	_ = 	snop  }
0x90: {  	s2 =	sld [smem:$0x3FD0];
	(tm) =	ssettm $0x1  }
0x91: {  	s18 =	sld [smem:$0x3FFB];
	_ =	sdelay $0x3  }
0x92: {  	_ =	strace s18  }
0x93: {  	s3 =	sld [smem:$0x3FFC];
	_ =	sdelay $0x3  }
0x94: {  	_ =	strace s3  }
0x95: {  	s3 =	sld [smem:$0x3FFD];
	_ =	sdelay $0x3  }
0x96: {  	_ =	strace s3  }
0x97: {  	_ =	strace $0x8FFFFFFF  }
0x98: {  	s19 =	sld [smem:$0x3FDB];
	_ =	sdelay $0x1  }
0x99: {  	s4 =	simm.s32 $_scs_section_size  }
0x9a: {  	s5 =	simm.s32 $_size__tile_overlayer_lowered;
	s6 =	simm.s32 $_tile_overlayer_lowered  }
0x9b: {  	s22 =	simm.s32 $0x1BFF;
	s21 =	sshll.u32 s6, $0x1;
	s3 =	sadd.s32 s4, s19  }
0x9c: {  	s7 =	simm.s32 $0x0;
	s20 =	sshll.u32 s5, $0x1;
	s5 =	sadd.s32 s21, s3  }
0x9d: {  	[timem:s7], [sflag:s22] =	dma.local [hbm:s5], s20  }
0x9e: {  	_ =	swait.ge [sflag:s22], s20  }
0x9f: {  	s4 =	ssub.s32 $0x0, s20;
	[sflag:s22] =	ssyncset.done $0x0  }
0xa0: {  	[sflag:s22] =	ssyncadd.s32 s4;
	_ =	sdelay $0x1  }
0xa1: {  	s23 =	simm.s32 $0x1B8B  }
0xa2: {  	_ =	swait.ge [sflag:s23], $0x1  }
0xa3: {  	[sflag:s23] =	ssyncset.done $0x0  }
0xa4: {  	s25 =	simm.s32 $0x1B8E;
	s24 =	sld [smem:$0x3FFE];
	[sflag:s23] =	ssyncadd.s32 $0xFFFFFFFF  }
0xa5: {  	s26 =	simm.s32 $execute0_lowered;
	[smem:$0x3FD2] =	sst s25  }
0xa6: {  	s5 =	sshll.u32 s26, $0x1;
	_ =	strace $0x80000046;
	[dreg:$0x1] =	wrdreg $0xFFFFFFFF  }
0xa7: {  	s28 =	simm.s32 $_size_execute0_lowered;
	s3 =	sadd.s32 s3, s5;
	[dreg:$0x0] =	wrdreg $0x0  }
0xa8: {  	s5 =	sshll.u32 s28, $0x1;
	[dreg:$0x2] =	wrdreg s3  }
0xa9: {  	[dreg:$0x3] =	wrdreg s5  }
0xaa: {  	[dreg:$0x4] =	wrdreg $0xC0  }
0xab: {  	_ =	task [dreg:s7], $0x5FFFF  }
0xac: {  	[dreg:$0x1] =	wrdreg $0xFFFFFFFF  }
0xad: {  	[dreg:$0x0] =	wrdreg $0x60  }
0xae: {  	[dreg:$0x2] =	wrdreg s24  }
0xaf: {  	[dreg:$0x3] =	wrdreg s2  }
0xb0: {  	[dreg:$0x4] =	wrdreg $0x8C000  }
0xb1: {  	[dreg:$0x5] =	wrdreg $0x9  }
0xb2: {  	_ =	task.clear_ibuf [dreg:s7], $0x6FFFF;
	_ =	strace $0x90000046  }
0xb3: {  	s29 =	simm.s32 $0x9;
	_ =	strace $0x80000048  }
0xb4: {  	_ =	swait.ge [sflag:s29], $0x1  }
0xb5: {  	[sflag:s29] =	ssyncadd.s32 $0xFFFFFFFF  }
0xb6: {  	_ =	strace $0x90000048  }
0xb7: {  	_ =	sfence  }
0xb8: {  	s30 =	sld [smem:$0x0];
	_ =	sdelay $0x2  }
0xb9: {  	s31 =	sshll.u32 s1, $0xD;
	s1 =	sshrl.u32 s1, $0x2  }
0xba: {  	s3 =	sand.u32 $0x4000, s31;
	s1 =	sadd.s32 s1, s30  }
0xbb: {  	s0 =	sor.u32 s3, s0;
	s1 =	sshll.u32 s1, $0x11  }
0xbc: {  	s0 =	sor.u32 s1, s0  }
0xbd: {  	s0 =	sadd.s32 $0x8F2B, s0  }
0xbe: {  	[sflag:s0] =	ssyncadd.remote.s32 $0x1  }
0xbf: {  	_ =	sfence.sel $0xFFFF  }
0xc0: {  	[dreg:$0x0] =	wrdreg $0xFFFFFFFF;
	(pc) =	sbr.abs _section_cstart, $3  }
0xc1: {  	[dreg:$0x1] =	wrdreg $0xFFFFFFFF  }
0xc2: {  	_ =	task.clear_ibuf [dreg:s7], $0x2FFFF;
	_ =	strace $0x9FFFFFFF  }
0xc3: {  	(tm) =	ssettm $0x7FFFFFFF  }
tec
execute0_lowered:
.L_overlay_start_1:
0x0: {  	(tag) =	ssettag $0x1  }
0x1: {  	s0 =	rddreg [dreg:$0x0]  }
0x2: {  	s7 =	rddreg [dreg:$0x1]  }
0x3: {  	s1 =	rddreg [dreg:$0x2];
	s3 =	simm.s32 $0x0;
	s4 =	srdreg.scid  }
0x4: {  	s2 =	stileid.u32;
	s13 =	simm.s32 $0x400;
	s14 =	simm.s32 $0x600  }
0x5: {  	s15 =	simm.s32 $0xC00;
	s16 =	simm.s32 $0x80;
	s17 =	simm.s32 $0x800  }
0x6: {  	s18 =	simm.s32 $0x1;
	s19 =	simm.s32 $0x880;
	s20 =	simm.s32 $0x4C00  }
0x7: {  	s21 =	simm.s32 $0xA00;
	s22 =	simm.s32 $0x2;
	s23 =	simm.s32 $0x900  }
0x8: {  	s24 =	simm.s32 $0xA80;
	s25 =	simm.s32 $0x980;
	s26 =	simm.s32 $0xB00  }
0x9: {  	s28 =	simm.s32 $0xB80;
	s29 =	simm.s32 $0x0;
	[smem:$0x7FF] =	sst s3  }
0xa: {  	s6 =	sand.u32 $0x1, s4;
	s9 =	sshll.u32 s2, $0xD;
	s4 =	sadd.s32 $0x3400, s0  }
0xb: {  	s5 =	sadd.s32 $0x7400, s0;
	_ =	strace $0x80000047;
	s8 =	sshll.u32 s6, $0x11  }
0xc: {  	s10 =	ssub.s32 $0x2, s6;
	s11 =	sshll.u32 s6, $0xA;
	s6 =	sshll.u32 s2, $0x6  }
0xd: {  	s8 =	sor.u32 s9, s8;
	s12 =	sshrl.u32 s10, $0x1;
	s11 =	sor.u32 s6, s11  }
0xe: {  	s9 =	sadd.s32 s9, s1;
	s8 =	sshrl.u32 s8, $0x3;
	s7 =	sadd.s32 s7, s11  }
0xf: {  	s12 =	ssub.s32 s10, s12;
	s0 =	sadd.s32 s8, s0;
	s8 =	sadd.s32 $0x800, s7  }
0x10: {  	v0 =	vimm.f32 $0.0e+00;
	s11 =	smax.u32 s12, $0x1;
	s12 =	simm.s32 $0x3;
	s10 =	sadd.s32 $0x7600, s0  }
.LBB2_1:
0x11: {  	[tilespmem:s3], [sflag:$0x3] =	stream.linear.gather [hbm4b:s5+s3], $0x400, $0x38;
	[tilespmem:$0xAC00] =	vst v63  }
0x12: {  	_ =	swait.ge [sflag:s12], $0x400  }
0x13: {  	[sflag:s12] =	ssyncset.done $0x0  }
0x14: {  	[sflag:s12] =	ssyncadd.s32 $0xFFFFFC00  }
0x15: {  	[tilespmem:s13], [sflag:$0x3] =	stream.linear.gather [hbm4b:s7+s3], $0x200, $0x38;
	[tilespmem:$0xAC00] =	vst v63  }
0x16: {  	_ =	swait.ge [sflag:s12], $0x200  }
0x17: {  	[sflag:s12] =	ssyncset.done $0x0  }
0x18: {  	[sflag:s12] =	ssyncadd.s32 $0xFFFFFE00  }
0x19: {  	[tilespmem:s14], [sflag:$0x3] =	stream.linear.gather [hbm4b:s8+s3], $0x200, $0x38;
	[tilespmem:$0xAC00] =	vst v63  }
0x1a: {  	_ =	swait.ge [sflag:s12], $0x200  }
0x1b: {  	[sflag:s12] =	ssyncset.done $0x0  }
0x1c: {  	s30 =	simm.s32 $0x0;
	s0 =	simm.s32 $0x200;
	[sflag:s12] =	ssyncadd.s32 $0xFFFFFE00  }
.LBB2_2:
0x1d: {  	p0 =	sne.s32 s0, $0x7E00;
	[tilespmem:s30+$0xC70] =	vst v0  }
0x1e: {  	[tilespmem:s30+$0xC00] =	vst v0  }
0x1f: {  	[tilespmem:s30+$0xC10] =	vst v0  }
.Ltmp0:
0x20: {  	[tilespmem:s30+$0xC20] =	vst v0;
	(pc) =	sbr.rel @p0 .LBB2_2-.Ltmp0, $4  }
0x21: {  	[tilespmem:s30+$0xC30] =	vst v0  }
0x22: {  	[tilespmem:s30+$0xC40] =	vst v0  }
0x23: {  	[tilespmem:s30+$0xC50] =	vst v0  }
0x24: {  	[tilespmem:s30+$0xC60] =	vst v0;
	s30 =	sshra.s32 s0, $0x2;
	s0 =	sadd.s32 $0x200, s0  }
0x25: {  	[tilespmem:s30+$0xC70] =	vst v0  }
0x26: {  	[tilespmem:s30+$0xC00] =	vst v0  }
0x27: {  	[tilespmem:s30+$0xC10] =	vst v0  }
0x28: {  	[tilespmem:s30+$0xC20] =	vst v0  }
0x29: {  	[tilespmem:s30+$0xC30] =	vst v0  }
0x2a: {  	[tilespmem:s30+$0xC40] =	vst v0  }
0x2b: {  	[tilespmem:s30+$0xC50] =	vst v0  }
0x2c: {  	[tilespmem:s30+$0xC60] =	vst v0  }
0x2d: {  	[spmem:s9] =	stream.linear.scatter [tilespmem:s15], [sflag:$0x3], $0x2000, $0x38;
	[tilespmem:$0xAC00] =	vst v63  }
0x2e: {  	_ =	swait.ge [sflag:s12], $0x2000  }
0x2f: {  	[sflag:s12] =	ssyncset.done $0x0  }
0x30: {  	[sflag:s12] =	ssyncadd.s32 $0xFFFFE000  }
0x31: {  	s31 =	simm.s32 $0x0;
	[bflag:$0x0] =	sbarrier.arrive $0xFFFF  }
0x32: {  	v3 =	vld [tilespmem:s31+$0x400]  }
0x33: {  	v4 =	vld [tilespmem:s31+$0x600];
	_ =	sdelay $0x3  }
0x34: {  	s30 =	simm.s32 $0x10  }
0x35: {  	v2 =	vld [tilespmem:s30+$0x600]  }
0x36: {  	v1 =	vld [tilespmem:s30+$0x400]  }
0x37: {  	v3 =	vld.idx.msk [tilespmem:v3+s3+$0x0], $0xffff  }
0x38: {  	v4 =	vld.idx.msk [tilespmem:v4+s3+$0x0], $0xffff  }
0x39: {  	s0 =	simm.s32 $0x80  }
.LBB2_4:
0x3a: {  	p0 =	sne.s32 s0, $0x7C0;
	v5 =	vmov v2;
	s2 =	smov.u32 s0;
	s0 =	sadd.s32 $0x40, s0  }
0x3b: {  	s2 =	sshra.s32 s2, $0x2  }
0x3c: {  	v6 =	vld [tilespmem:s2+$0x400];
	[tilespmem:s31+$0x800] =	vst v3  }
.Ltmp1:
0x3d: {  	v2 =	vld [tilespmem:s2+$0x600];
	[tilespmem:s31+$0xA00] =	vst v4;
	s31 =	smov.u32 s30;
	s30 =	smov.u32 s2;
	(pc) =	sbr.rel @p0 .LBB2_4-.Ltmp1, $3  }
0x3e: {  	v3 =	vld.idx.msk [tilespmem:v1+s3+$0x0], $0xffff  }
0x3f: {  	v4 =	vld.idx.msk [tilespmem:v5+s3+$0x0], $0xffff;
	_ =	sdelay $0x1  }
0x40: {  	v1 =	vmov v6  }
0x41: {  	_ =	sdelay $0x1  }
0x42: {  	[tilespmem:s31+$0x800] =	vst v3  }
0x43: {  	[tilespmem:s31+$0xA00] =	vst v4  }
0x44: {  	v1 =	vld.idx.msk [tilespmem:v1+s3+$0x0], $0xffff  }
0x45: {  	v2 =	vld.idx.msk [tilespmem:v2+s3+$0x0], $0xffff;
	_ =	sdelay $0x3  }
0x46: {  	[tilespmem:s30+$0x800] =	vst v1  }
0x47: {  	[tilespmem:s30+$0xA00] =	vst v2  }
0x48: {  	[tilespmem:s15], [sflag:$0x1] =	stream.indirect.gather [hbm4b:s4+s16], $0x80, s17, s16, $0xb8;
	[tilespmem:$0xAC00] =	vst v63  }
0x49: {  	_ =	swait.ge [sflag:s18], $0x4000  }
0x4a: {  	[sflag:s18] =	ssyncset.done $0x0  }
0x4b: {  	[sflag:s18] =	ssyncadd.s32 $0xFFFFC000  }
0x4c: {  	[tilespmem:s20], [sflag:$0x2] =	stream.indirect.gather [hbm4b:s4+s16], $0x80, s19, s16, $0xb8;
	[tilespmem:$0xAC00] =	vst v63  }
0x4d: {  	_ = 	snop  }
0x4e: {  	[spmem:s1] =	stream.indirect.scatter.add.f32 [tilespmem:s15], [sflag:$0x3], $0x80, s21, s16, $0xb8;
	[tilespmem:$0xAC00] =	vst v63  }
0x4f: {  	_ =	swait.ge [sflag:s12], $0x4000  }
0x50: {  	[sflag:s12] =	ssyncset.done $0x0  }
0x51: {  	[sflag:s12] =	ssyncadd.s32 $0xFFFFC000  }
0x52: {  	_ =	swait.ge [sflag:s22], $0x4000  }
0x53: {  	[sflag:s22] =	ssyncset.done $0x0  }
0x54: {  	[sflag:s22] =	ssyncadd.s32 $0xFFFFC000  }
0x55: {  	[tilespmem:s15], [sflag:$0x1] =	stream.indirect.gather [hbm4b:s4+s16], $0x80, s23, s16, $0xb8;
	[tilespmem:$0xAC00] =	vst v63  }
0x56: {  	_ = 	snop  }
0x57: {  	[spmem:s1] =	stream.indirect.scatter.add.f32 [tilespmem:s20], [sflag:$0x3], $0x80, s24, s16, $0xb8;
	[tilespmem:$0xAC00] =	vst v63  }
0x58: {  	_ =	swait.ge [sflag:s12], $0x4000  }
0x59: {  	[sflag:s12] =	ssyncset.done $0x0  }
0x5a: {  	[sflag:s12] =	ssyncadd.s32 $0xFFFFC000  }
0x5b: {  	_ =	swait.ge [sflag:s18], $0x4000  }
0x5c: {  	[sflag:s18] =	ssyncset.done $0x0  }
0x5d: {  	[sflag:s18] =	ssyncadd.s32 $0xFFFFC000  }
0x5e: {  	[tilespmem:s20], [sflag:$0x2] =	stream.indirect.gather [hbm4b:s4+s16], $0x80, s25, s16, $0xb8;
	[tilespmem:$0xAC00] =	vst v63  }
0x5f: {  	_ = 	snop  }
0x60: {  	[spmem:s1] =	stream.indirect.scatter.add.f32 [tilespmem:s15], [sflag:$0x3], $0x80, s26, s16, $0xb8;
	[tilespmem:$0xAC00] =	vst v63  }
0x61: {  	_ =	swait.ge [sflag:s12], $0x4000  }
0x62: {  	[sflag:s12] =	ssyncset.done $0x0  }
0x63: {  	[sflag:s12] =	ssyncadd.s32 $0xFFFFC000  }
0x64: {  	_ =	swait.ge [sflag:s22], $0x4000  }
0x65: {  	[sflag:s22] =	ssyncset.done $0x0  }
0x66: {  	[sflag:s22] =	ssyncadd.s32 $0xFFFFC000  }
0x67: {  	[spmem:s1] =	stream.indirect.scatter.add.f32 [tilespmem:s20], [sflag:$0x3], $0x80, s28, s16, $0xb8;
	[tilespmem:$0xAC00] =	vst v63  }
0x68: {  	_ =	swait.ge [sflag:s12], $0x4000  }
0x69: {  	s29 =	sadd.s32 $0x1, s29;
	[sflag:s12] =	ssyncset.done $0x0  }
0x6a: {  	s0 =	sor.u32 $0x1C03, s6;
	p0 =	sne.s32 s29, s11;
	[sflag:s12] =	ssyncadd.s32 $0xFFFFC000  }
.Ltmp2:
0x6b: {  	s2 =	sshrl.u32 s9, $0x3;
	[bflag:$0x0] =	sbarrier.arrive $0xFFFF;
	(pc) =	sbr.rel @p0 .LBB2_1-.Ltmp2, $4  }
0x6c: {  	[hbm:s10], [sflag:s0] =	dma.local [spmem:s2], $0x400  }
0x6d: {  	_ =	swait.ge [sflag:s12], $0x400  }
0x6e: {  	[sflag:s12] =	ssyncset.done $0x0  }
0x6f: {  	[sflag:s12] =	ssyncadd.s32 $0xFFFFFC00  }
0x70: {  	_ =	sfence.sel $0x180000  }
0x71: {  	[bflag:$0x0] =	sbarrier.arrive $0xFFFF  }
0x72: {  	_ =	strace $0x90000047  }
0x73: {  	s0 =	stileid.u32;
	[bflag:$0x2] =	sbarrier.arrive $0xFFFF  }
0x74: {  	p0 =	sne.s32 s0, $0x0;
	s0 =	rddreg [dreg:$0x3]  }
0x75: {  	s0 =	sadd.s32 @!p0 $0x100000, s0  }
0x76: {  	[sflag:s0] =	ssyncadd.tile.s32 @!p0 $0x1;
	_ =	shalt  }
.Lfunc_end2:
_tile_overlayer_lowered:
.L_overlay_start_2:
0x77: {  	(tag) =	ssettag $0x2  }
0x78: {  	s0 =	rddreg [dreg:$0x0];
	s2 =	stileid.u32  }
0x79: {  	s1 =	rddreg [dreg:$0x1];
	p0 =	sne.s32 s2, $0x0  }
0x7a: {  	s3 =	rddreg [dreg:$0x2];
	[bflag:$0x3] =	sbarrier.arrive $0xFFFF;
	s2 =	simm.s32 @!p0 $0x1C03  }
0x7b: {  	[timem:s3], [sflag:s2] =	dma.local @!p0 [hbm:s0], s1  }
0x7c: {  	s0 =	simm.s32 @!p0 $0x3  }
0x7d: {  	_ =	swait.ge @!p0 [sflag:s0], s1  }
0x7e: {  	s1 =	ssub.s32 @!p0 $0x0, s1;
	[sflag:s0] =	ssyncset.done @!p0 $0x0  }
0x7f: {  	[sflag:s0] =	ssyncadd.s32 @!p0 s1  }
0x80: {  	[bflag:$0x3] =	sbarrier.arrive $0xFFFF  }
0x81: {  	_ =	shalt  }

</sc_bundles>
